<compile_context>
chip_gen: v7x
topology: tpu7x:2x2x1
jax: 0.10.2.dev20260603
libtpu: 0.0.44.dev20260713+nightly
codegen_flags: <defaults>
</compile_context>

<pallas_src>
import functools

import jax
import jax.numpy as jnp
from jax import lax
from jax.experimental import pallas as pl
from jax.experimental.pallas import tpu as pltpu
from jax.experimental.pallas import tpu_sc as plsc

NSUB = 16
NCORE = 2
CHUNK = 2048
NBUF = 4
EALIGN = NSUB * CHUNK


def _sc_segment_columns(npad, n_edges):
    e_main = (n_edges // EALIGN) * EALIGN
    tail = n_edges - e_main
    assert tail % CHUNK == 0 and tail // CHUNK <= NSUB
    n_tail = tail // CHUNK
    ept = e_main // NSUB
    n_chunks = ept // CHUNK
    sl = npad // NSUB
    mesh = plsc.VectorSubcoreMesh(core_axis_name="c", subcore_axis_name="s")

    buf_types = []
    for _ in range(NBUF):
        buf_types += [
            pltpu.VMEM((CHUNK,), jnp.int32),
            pltpu.VMEM((CHUNK,), jnp.float32),
            pltpu.VMEM((CHUNK,), jnp.int32),
        ]

    @functools.partial(
        pl.kernel,
        out_type=[jax.ShapeDtypeStruct((npad,), jnp.float32)] * NCORE,
        name="sc_gather_segsum",
        mesh=mesh,
        compiler_params=pltpu.CompilerParams(needs_layout_passes=False),
        scratch_types=[pltpu.VMEM((npad,), jnp.float32)]
        + buf_types
        + [pltpu.SemaphoreType.DMA] * (2 * NBUF)
        + [pltpu.VMEM_SHARED((npad,), jnp.float32)],
    )
    def kern(h0_hbm, h1_hbm, src_hbm, wgt_hbm, tgt_hbm,
             acc0_hbm, acc1_hbm, col_v, *rest):
        bufs = [tuple(rest[3 * i:3 * i + 3]) for i in range(NBUF)]
        sems_in = rest[3 * NBUF:4 * NBUF]
        sems_sc = rest[4 * NBUF:5 * NBUF]
        acc_sp = rest[5 * NBUF]
        cid = lax.axis_index("c")
        sid = lax.axis_index("s")

        nreal = h0_hbm.shape[0]
        col_dst = col_v.at[pl.ds(0, nreal)]

        @pl.when(cid == 0)
        def _():
            pltpu.async_copy(h0_hbm, col_dst, sems_in[0])

        @pl.when(cid == 1)
        def _():
            pltpu.async_copy(h1_hbm, col_dst, sems_in[0])

        zv = jnp.zeros((16,), jnp.float32)
        msg0 = bufs[0][1]

        def zero_body(i, _):
            msg0[pl.ds(i * 16, 16)] = zv
            return 0

        lax.fori_loop(0, CHUNK // 16, zero_body, 0)
        off = sid * sl
        for p in range(sl // CHUNK):
            pltpu.sync_copy(msg0, acc_sp.at[pl.ds(off + p * CHUNK, CHUNK)])
        rem = sl % CHUNK
        if rem:
            pltpu.sync_copy(msg0.at[pl.ds(0, rem)],
                            acc_sp.at[pl.ds(off + (sl // CHUNK) * CHUNK, rem)])
        pltpu.make_async_copy(h0_hbm, col_dst, sems_in[0]).wait()
        plsc.subcore_barrier()

        def start_inputs(c, b):
            sv, wv, tv = bufs[b]
            base = pl.multiple_of(sid * ept + c * CHUNK, 128)
            pltpu.async_copy(src_hbm.at[pl.ds(base, CHUNK)], sv, sems_in[b])
            pltpu.async_copy(wgt_hbm.at[pl.ds(base, CHUNK)], wv, sems_in[b])
            pltpu.async_copy(tgt_hbm.at[pl.ds(base, CHUNK)], tv, sems_in[b])

        def wait_inputs(c, b):
            sv, wv, tv = bufs[b]
            base = pl.multiple_of(sid * ept + c * CHUNK, 128)
            pltpu.make_async_copy(src_hbm.at[pl.ds(base, CHUNK)], sv, sems_in[b]).wait()
            pltpu.make_async_copy(wgt_hbm.at[pl.ds(base, CHUNK)], wv, sems_in[b]).wait()
            pltpu.make_async_copy(tgt_hbm.at[pl.ds(base, CHUNK)], tv, sems_in[b]).wait()

        def wait_scatter(b):
            _, wv, tv = bufs[b]
            pltpu.make_async_copy(wv, acc_sp.at[tv], sems_sc[b]).wait()

        def gather_multiply(sv, wv):
            @plsc.parallel_loop(0, CHUNK, step=16, unroll=8)
            def _(o):
                idx = sv[pl.ds(o, 16)]
                vals = plsc.load_gather(col_v, [idx])
                wv[pl.ds(o, 16)] = wv[pl.ds(o, 16)] * vals

        start_inputs(0, 0)
        start_inputs(1, 1)

        def body(k4, _):
            for i in range(NBUF):
                sv, wv, tv = bufs[i]
                s = k4 * NBUF + i

                @pl.when(s + 2 < n_chunks)
                def _():
                    @pl.when(s >= 2)
                    def _():
                        wait_scatter((i + 2) % NBUF)

                    start_inputs(s + 2, (i + 2) % NBUF)

                @pl.when(s < n_chunks)
                def _():
                    wait_inputs(s, i)
                    gather_multiply(sv, wv)
                    pltpu.async_copy(wv, acc_sp.at[tv], sems_sc[i], add=True)
            return 0

        lax.fori_loop(0, (n_chunks + NBUF - 1) // NBUF, body, 0)
        for i in range(NBUF):
            wait_scatter(i)

        if n_tail:
            @pl.when(sid < n_tail)
            def _():
                sv, wv, tv = bufs[0]
                base = pl.multiple_of(e_main + sid * CHUNK, 128)
                pltpu.sync_copy(src_hbm.at[pl.ds(base, CHUNK)], sv)
                pltpu.sync_copy(wgt_hbm.at[pl.ds(base, CHUNK)], wv)
                pltpu.sync_copy(tgt_hbm.at[pl.ds(base, CHUNK)], tv)
                gather_multiply(sv, wv)
                pltpu.sync_copy(wv, acc_sp.at[tv], add=True)

        plsc.subcore_barrier()

        def writeout(dst_hbm):
            pieces = [(p * CHUNK, CHUNK) for p in range(sl // CHUNK)]
            if sl % CHUNK:
                pieces.append(((sl // CHUNK) * CHUNK, sl % CHUNK))
            for (po, ln) in pieces:
                pltpu.sync_copy(acc_sp.at[pl.ds(off + po, ln)], msg0.at[pl.ds(0, ln)])
                pltpu.sync_copy(msg0.at[pl.ds(0, ln)], dst_hbm.at[pl.ds(off + po, ln)])

        @pl.when(cid == 0)
        def _():
            writeout(acc0_hbm)

        @pl.when(cid == 1)
        def _():
            writeout(acc1_hbm)

    return kern


def _tc_combine(w_ref, h0, h1, a0, a1, o0, o1):
    w00 = w_ref[0]
    w01 = w_ref[1]
    w10 = w_ref[2]
    w11 = w_ref[3]
    o0[...] = h0[...] + w00 * a0[...] + w10 * a1[...]
    o1[...] = h1[...] + w01 * a0[...] + w11 * a1[...]


def kernel(hidden_state, edge_weight, source, target, W):
    n, _ = hidden_state.shape
    e = source.shape[0]
    npad = ((n + 127) // 128) * 128

    h0 = jnp.pad(hidden_state[:, 0], (0, npad - n))
    h1 = jnp.pad(hidden_state[:, 1], (0, npad - n))
    src = source.astype(jnp.int32)
    tgt = target.astype(jnp.int32)
    wgt = edge_weight.reshape(e).astype(jnp.float32)

    acc0, acc1 = _sc_segment_columns(npad, e)(h0, h1, src, wgt, tgt)

    m = npad // 128
    o0, o1 = pl.pallas_call(
        _tc_combine,
        out_shape=[jax.ShapeDtypeStruct((m, 128), jnp.float32)] * 2,
        in_specs=[
            pl.BlockSpec(memory_space=pltpu.SMEM),
            pl.BlockSpec(memory_space=pltpu.VMEM),
            pl.BlockSpec(memory_space=pltpu.VMEM),
            pl.BlockSpec(memory_space=pltpu.VMEM),
            pl.BlockSpec(memory_space=pltpu.VMEM),
        ],
        out_specs=[pl.BlockSpec(memory_space=pltpu.VMEM)] * 2,
    )(
        W.reshape(4),
        h0.reshape(m, 128),
        h1.reshape(m, 128),
        acc0.reshape(m, 128),
        acc1.reshape(m, 128),
    )
    return jnp.stack([o0.reshape(npad)[:n], o1.reshape(npad)[:n]], axis=1)

# --- scband reference (transcript-rebuilt; emitter-appended) ---
"""Pipeline reference for scband-add-weighted-swapped-in-edges-36816459662136 (READ-ONLY COPY).

The authoritative reference and input builder live on the scoring server;
editing this copy changes nothing except your own understanding.
"""

import jax, jax.numpy as jnp
import numpy as np

N_NODES = 100000
N_EDGES = 6400000

def setup_inputs(seed: int = 0) -> dict:
    key = jax.random.key(seed)
    k1, k2, k3, k4 = jax.random.split(key, 4)
    hidden_state = jax.random.normal(k1, (N_NODES, 2), dtype=jnp.float32)
    edge_weight = jax.random.uniform(k2, (N_EDGES, 1), dtype=jnp.float32)
    source = jax.random.randint(k3, (N_EDGES,), 0, N_NODES, dtype=jnp.int64)
    target = jax.random.randint(k4, (N_EDGES,), 0, N_NODES, dtype=jnp.int64)
    # Dense(2, use_bias=False) kernel, constant-initialized to the coordinate swap matrix
    W = jnp.array([[0.0, 1.0], [1.0, 0.0]], dtype=jnp.float32)
    return {"hidden_state": hidden_state, "edge_weight": edge_weight, "source": source, "target": target, "W": W}

def reference(hidden_state, edge_weight, source, target, W):
    # gather source node states along edges
    source_value = jnp.take(hidden_state, source, axis=0)           # [E, 2]
    # weight each message (edge_weight [E,1] broadcasts over feature dim)
    message = edge_weight * source_value                             # [E, 2]
    # unsorted_segment_sum over target nodes
    pooled_message = jax.ops.segment_sum(message, target, num_segments=hidden_state.shape[0])  # [N, 2]
    # Dense(2, use_bias=False): pooled @ kernel
    node_updates = pooled_message @ W                                # [N, 2]
    node_state = hidden_state + node_updates
    return node_state

if __name__ == "__main__":
    import jax
    _d = setup_inputs()
    print(jax.jit(kernel)(*tuple(_d.values())))

</pallas_src>

<mosaic_0001>
#map = affine_map<(d0, d1) -> (0)>
module attributes {stable_mosaic.version = 14 : i64} {
  func.func @sc_gather_segsum(%arg0: i32, %arg1: i32, %arg2: memref<100096xf32, #tpu.memory_space<hbm>>, %arg3: memref<100096xf32, #tpu.memory_space<hbm>>, %arg4: memref<6400000xi32, #tpu.memory_space<hbm>>, %arg5: memref<6400000xf32, #tpu.memory_space<hbm>>, %arg6: memref<6400000xi32, #tpu.memory_space<hbm>>, %arg7: memref<100096xf32, #tpu.memory_space<hbm>>, %arg8: memref<100096xf32, #tpu.memory_space<hbm>>, %arg9: memref<100096xf32, #tpu.memory_space<vmem>>, %arg10: memref<2048xi32, #tpu.memory_space<vmem>>, %arg11: memref<2048xf32, #tpu.memory_space<vmem>>, %arg12: memref<2048xi32, #tpu.memory_space<vmem>>, %arg13: memref<2048xi32, #tpu.memory_space<vmem>>, %arg14: memref<2048xf32, #tpu.memory_space<vmem>>, %arg15: memref<2048xi32, #tpu.memory_space<vmem>>, %arg16: memref<2048xi32, #tpu.memory_space<vmem>>, %arg17: memref<2048xf32, #tpu.memory_space<vmem>>, %arg18: memref<2048xi32, #tpu.memory_space<vmem>>, %arg19: memref<2048xi32, #tpu.memory_space<vmem>>, %arg20: memref<2048xf32, #tpu.memory_space<vmem>>, %arg21: memref<2048xi32, #tpu.memory_space<vmem>>, %arg22: memref<!tpu.dma_semaphore, #tpu.memory_space<semaphore_mem>>, %arg23: memref<!tpu.dma_semaphore, #tpu.memory_space<semaphore_mem>>, %arg24: memref<!tpu.dma_semaphore, #tpu.memory_space<semaphore_mem>>, %arg25: memref<!tpu.dma_semaphore, #tpu.memory_space<semaphore_mem>>, %arg26: memref<!tpu.dma_semaphore, #tpu.memory_space<semaphore_mem>>, %arg27: memref<!tpu.dma_semaphore, #tpu.memory_space<semaphore_mem>>, %arg28: memref<!tpu.dma_semaphore, #tpu.memory_space<semaphore_mem>>, %arg29: memref<!tpu.dma_semaphore, #tpu.memory_space<semaphore_mem>>, %arg30: memref<100096xf32, #tpu.memory_space<vmem_shared>>) attributes {dimension_semantics = [#tpu.dimension_semantics<core_parallel>, #tpu.dimension_semantics<subcore_parallel>], iteration_bounds = array<i64: 2, 16>, scalar_prefetch = 0 : i64, scratch_operands = 22 : i64, tpu.core_type = #tpu.core_type<sc_vector_subcore>, window_params = [{transform_indices = #map}, {transform_indices = #map}, {transform_indices = #map}, {transform_indices = #map}, {transform_indices = #map}, {transform_indices = #map}, {transform_indices = #map}]} {
    %eq3A = arith.constant 0 : i32
    %eq3A_0 = arith.cmpi eq, %arg0, %eq3A : i32
    %convert_element_type3A = arith.extui %eq3A_0 : i1 to i32
    %cond3A = arith.constant 0 : i32
    %cond3A_1 = arith.cmpi ne, %convert_element_type3A, %cond3A : i32
    scf.if %cond3A_1 {
      %dma_start3A_75 = arith.constant 0 : i32
      %dma_start3A_76 = tpu.memref_slice %arg9[%dma_start3A_75] : memref<100096xf32, #tpu.memory_space<vmem>> -> memref<100096xf32, #tpu.memory_space<vmem>>
      %dma_start3A_77 = arith.constant 0 : i32
      %dma_start3A_78 = tpu.memref_slice %arg9[%dma_start3A_77] : memref<100096xf32, #tpu.memory_space<vmem>> -> memref<100096xf32, #tpu.memory_space<vmem>>
      tpu.enqueue_dma source(%arg2 : memref<100096xf32, #tpu.memory_space<hbm>>) target(%dma_start3A_78 : memref<100096xf32, #tpu.memory_space<vmem>>) target_semaphore(%arg22 : memref<!tpu.dma_semaphore, #tpu.memory_space<semaphore_mem>>)
    } else {
    }
    %eq3A_2 = arith.constant 1 : i32
    %eq3A_3 = arith.cmpi eq, %arg0, %eq3A_2 : i32
    %convert_element_type3A_4 = arith.extui %eq3A_3 : i1 to i32
    %cond3A_5 = arith.constant 0 : i32
    %cond3A_6 = arith.cmpi ne, %convert_element_type3A_4, %cond3A_5 : i32
    scf.if %cond3A_6 {
      %dma_start3A_75 = arith.constant 0 : i32
      %dma_start3A_76 = tpu.memref_slice %arg9[%dma_start3A_75] : memref<100096xf32, #tpu.memory_space<vmem>> -> memref<100096xf32, #tpu.memory_space<vmem>>
      %dma_start3A_77 = arith.constant 0 : i32
      %dma_start3A_78 = tpu.memref_slice %arg9[%dma_start3A_77] : memref<100096xf32, #tpu.memory_space<vmem>> -> memref<100096xf32, #tpu.memory_space<vmem>>
      tpu.enqueue_dma source(%arg3 : memref<100096xf32, #tpu.memory_space<hbm>>) target(%dma_start3A_78 : memref<100096xf32, #tpu.memory_space<vmem>>) target_semaphore(%arg22 : memref<!tpu.dma_semaphore, #tpu.memory_space<semaphore_mem>>)
    } else {
    }
    %broadcast_in_dim3A = arith.constant 0.000000e+00 : f32
    %broadcast_in_dim3A_7 = vector.broadcast %broadcast_in_dim3A : f32 to vector<16xf32>
    %scan3A = arith.constant 0 : i32
    %scan3A_8 = arith.constant 0 : i32
    %scan3A_9 = arith.constant 128 : i32
    %scan3A_10 = arith.addi %scan3A_8, %scan3A_9 : i32
    %scan3A_11 = arith.constant 1 : i32
    %scan3A_12 = scf.for %scan3A_75 = %scan3A_8 to %scan3A_10 step %scan3A_11 iter_args(%scan3A_76 = %scan3A) -> (i32)  : i32 {
      %mul3A_77 = arith.constant 16 : i32
      %mul3A_78 = arith.muli %scan3A_75, %mul3A_77 : i32
      %swap3A = arith.index_cast %mul3A_78 : i32 to index
      %swap3A_79 = tpu.vector_load %arg11[%swap3A] {strides = array<i32>} : memref<2048xf32, #tpu.memory_space<vmem>>, vector<16xf32>,
      tpu.vector_store %arg11[%swap3A], %broadcast_in_dim3A_7 {strides = array<i32>} : memref<2048xf32, #tpu.memory_space<vmem>>, vector<16xf32>,
      %scan3A_80 = arith.constant 0 : i32
      scf.yield %scan3A_80 : i32
    }
    %scan3A_13 = arith.constant 128 : i32
    %mul3A = arith.constant 6256 : i32
    %mul3A_14 = arith.muli %arg1, %mul3A : i32
    %add3A = arith.constant 0 : i32
    %add3A_15 = arith.addi %mul3A_14, %add3A : i32
    "tpu.region"() ({
      %run_scoped3A = tpu.sem_alloc : memref<!tpu.dma_semaphore, #tpu.memory_space<semaphore_mem>>
      %dma_start3A_75 = tpu.memref_slice %arg30[%add3A_15] : memref<100096xf32, #tpu.memory_space<vmem_shared>> -> memref<2048xf32, #tpu.memory_space<vmem_shared>>
      %dma_start3A_76 = tpu.memref_slice %arg30[%add3A_15] : memref<100096xf32, #tpu.memory_space<vmem_shared>> -> memref<2048xf32, #tpu.memory_space<vmem_shared>>
      tpu.enqueue_dma source(%arg11 : memref<2048xf32, #tpu.memory_space<vmem>>) target(%dma_start3A_76 : memref<2048xf32, #tpu.memory_space<vmem_shared>>) target_semaphore(%run_scoped3A : memref<!tpu.dma_semaphore, #tpu.memory_space<semaphore_mem>>)
      %dma_wait3A_77 = tpu.memref_slice %arg30[%add3A_15] : memref<100096xf32, #tpu.memory_space<vmem_shared>> -> memref<2048xf32, #tpu.memory_space<vmem_shared>>
      %dma_wait3A_78 = tpu.memref_slice %arg30[%add3A_15] : memref<100096xf32, #tpu.memory_space<vmem_shared>> -> memref<2048xf32, #tpu.memory_space<vmem_shared>>
      tpu.wait_dma2 semaphore(%run_scoped3A : memref<!tpu.dma_semaphore, #tpu.memory_space<semaphore_mem>>) src(%arg11 : memref<2048xf32, #tpu.memory_space<vmem>>) dst(%dma_wait3A_78 : memref<2048xf32, #tpu.memory_space<vmem_shared>>)
      tpu.yield
    }) : () -> ()
    %add3A_16 = arith.constant 2048 : i32
    %add3A_17 = arith.addi %mul3A_14, %add3A_16 : i32
    "tpu.region"() ({
      %run_scoped3A = tpu.sem_alloc : memref<!tpu.dma_semaphore, #tpu.memory_space<semaphore_mem>>
      %dma_start3A_75 = tpu.memref_slice %arg30[%add3A_17] : memref<100096xf32, #tpu.memory_space<vmem_shared>> -> memref<2048xf32, #tpu.memory_space<vmem_shared>>
      %dma_start3A_76 = tpu.memref_slice %arg30[%add3A_17] : memref<100096xf32, #tpu.memory_space<vmem_shared>> -> memref<2048xf32, #tpu.memory_space<vmem_shared>>
      tpu.enqueue_dma source(%arg11 : memref<2048xf32, #tpu.memory_space<vmem>>) target(%dma_start3A_76 : memref<2048xf32, #tpu.memory_space<vmem_shared>>) target_semaphore(%run_scoped3A : memref<!tpu.dma_semaphore, #tpu.memory_space<semaphore_mem>>)
      %dma_wait3A_77 = tpu.memref_slice %arg30[%add3A_17] : memref<100096xf32, #tpu.memory_space<vmem_shared>> -> memref<2048xf32, #tpu.memory_space<vmem_shared>>
      %dma_wait3A_78 = tpu.memref_slice %arg30[%add3A_17] : memref<100096xf32, #tpu.memory_space<vmem_shared>> -> memref<2048xf32, #tpu.memory_space<vmem_shared>>
      tpu.wait_dma2 semaphore(%run_scoped3A : memref<!tpu.dma_semaphore, #tpu.memory_space<semaphore_mem>>) src(%arg11 : memref<2048xf32, #tpu.memory_space<vmem>>) dst(%dma_wait3A_78 : memref<2048xf32, #tpu.memory_space<vmem_shared>>)
      tpu.yield
    }) : () -> ()
    %add3A_18 = arith.constant 4096 : i32
    %add3A_19 = arith.addi %mul3A_14, %add3A_18 : i32
    "tpu.region"() ({
      %run_scoped3A = tpu.sem_alloc : memref<!tpu.dma_semaphore, #tpu.memory_space<semaphore_mem>>
      %dma_start3A_75 = tpu.memref_slice %arg30[%add3A_19] : memref<100096xf32, #tpu.memory_space<vmem_shared>> -> memref<2048xf32, #tpu.memory_space<vmem_shared>>
      %dma_start3A_76 = tpu.memref_slice %arg30[%add3A_19] : memref<100096xf32, #tpu.memory_space<vmem_shared>> -> memref<2048xf32, #tpu.memory_space<vmem_shared>>
      tpu.enqueue_dma source(%arg11 : memref<2048xf32, #tpu.memory_space<vmem>>) target(%dma_start3A_76 : memref<2048xf32, #tpu.memory_space<vmem_shared>>) target_semaphore(%run_scoped3A : memref<!tpu.dma_semaphore, #tpu.memory_space<semaphore_mem>>)
      %dma_wait3A_77 = tpu.memref_slice %arg30[%add3A_19] : memref<100096xf32, #tpu.memory_space<vmem_shared>> -> memref<2048xf32, #tpu.memory_space<vmem_shared>>
      %dma_wait3A_78 = tpu.memref_slice %arg30[%add3A_19] : memref<100096xf32, #tpu.memory_space<vmem_shared>> -> memref<2048xf32, #tpu.memory_space<vmem_shared>>
      tpu.wait_dma2 semaphore(%run_scoped3A : memref<!tpu.dma_semaphore, #tpu.memory_space<semaphore_mem>>) src(%arg11 : memref<2048xf32, #tpu.memory_space<vmem>>) dst(%dma_wait3A_78 : memref<2048xf32, #tpu.memory_space<vmem_shared>>)
      tpu.yield
    }) : () -> ()
    %add3A_20 = arith.constant 6144 : i32
    %add3A_21 = arith.addi %mul3A_14, %add3A_20 : i32
    "tpu.region"() ({
      %run_scoped3A = tpu.sem_alloc : memref<!tpu.dma_semaphore, #tpu.memory_space<semaphore_mem>>
      %dma_start3A_75 = arith.constant 0 : i32
      %dma_start3A_76 = tpu.memref_slice %arg11[%dma_start3A_75] : memref<2048xf32, #tpu.memory_space<vmem>> -> memref<112xf32, #tpu.memory_space<vmem>>
      %dma_start3A_77 = tpu.memref_slice %arg30[%add3A_21] : memref<100096xf32, #tpu.memory_space<vmem_shared>> -> memref<112xf32, #tpu.memory_space<vmem_shared>>
      %dma_start3A_78 = tpu.memref_slice %arg30[%add3A_21] : memref<100096xf32, #tpu.memory_space<vmem_shared>> -> memref<112xf32, #tpu.memory_space<vmem_shared>>
      %dma_start3A_79 = arith.constant 0 : i32
      %dma_start3A_80 = tpu.memref_slice %arg11[%dma_start3A_79] : memref<2048xf32, #tpu.memory_space<vmem>> -> memref<112xf32, #tpu.memory_space<vmem>>
      tpu.enqueue_dma source(%dma_start3A_80 : memref<112xf32, #tpu.memory_space<vmem>>) target(%dma_start3A_78 : memref<112xf32, #tpu.memory_space<vmem_shared>>) target_semaphore(%run_scoped3A : memref<!tpu.dma_semaphore, #tpu.memory_space<semaphore_mem>>)
      %dma_wait3A_81 = arith.constant 0 : i32
      %dma_wait3A_82 = tpu.memref_slice %arg11[%dma_wait3A_81] : memref<2048xf32, #tpu.memory_space<vmem>> -> memref<112xf32, #tpu.memory_space<vmem>>
      %dma_wait3A_83 = tpu.memref_slice %arg30[%add3A_21] : memref<100096xf32, #tpu.memory_space<vmem_shared>> -> memref<112xf32, #tpu.memory_space<vmem_shared>>
      %dma_wait3A_84 = tpu.memref_slice %arg30[%add3A_21] : memref<100096xf32, #tpu.memory_space<vmem_shared>> -> memref<112xf32, #tpu.memory_space<vmem_shared>>
      %dma_wait3A_85 = arith.constant 0 : i32
      %dma_wait3A_86 = tpu.memref_slice %arg11[%dma_wait3A_85] : memref<2048xf32, #tpu.memory_space<vmem>> -> memref<112xf32, #tpu.memory_space<vmem>>
      tpu.wait_dma2 semaphore(%run_scoped3A : memref<!tpu.dma_semaphore, #tpu.memory_space<semaphore_mem>>) src(%dma_wait3A_86 : memref<112xf32, #tpu.memory_space<vmem>>) dst(%dma_wait3A_84 : memref<112xf32, #tpu.memory_space<vmem_shared>>)
      tpu.yield
    }) : () -> ()
    %dma_wait3A = arith.constant 0 : i32
    %dma_wait3A_22 = tpu.memref_slice %arg9[%dma_wait3A] : memref<100096xf32, #tpu.memory_space<vmem>> -> memref<100096xf32, #tpu.memory_space<vmem>>
    %dma_wait3A_23 = arith.constant 0 : i32
    %dma_wait3A_24 = tpu.memref_slice %arg9[%dma_wait3A_23] : memref<100096xf32, #tpu.memory_space<vmem>> -> memref<100096xf32, #tpu.memory_space<vmem>>
    tpu.wait_dma2 semaphore(%arg22 : memref<!tpu.dma_semaphore, #tpu.memory_space<semaphore_mem>>) src(%arg2 : memref<100096xf32, #tpu.memory_space<hbm>>) dst(%dma_wait3A_24 : memref<100096xf32, #tpu.memory_space<vmem>>)
    %barrier3A = arith.constant 0 : index
    tpu.barrier barrier_id(%barrier3A)
    %mul3A_25 = arith.constant 399360 : i32
    %mul3A_26 = arith.muli %arg1, %mul3A_25 : i32
    %add3A_27 = arith.constant 0 : i32
    %add3A_28 = arith.addi %mul3A_26, %add3A_27 : i32
    %multiple_of3A = tpu.assume_multiple %add3A_28, 128 : i32
    %dma_start3A = tpu.memref_slice %arg4[%multiple_of3A] : memref<6400000xi32, #tpu.memory_space<hbm>> -> memref<2048xi32, #tpu.memory_space<hbm>>
    %dma_start3A_29 = tpu.memref_slice %arg4[%multiple_of3A] : memref<6400000xi32, #tpu.memory_space<hbm>> -> memref<2048xi32, #tpu.memory_space<hbm>>
    tpu.enqueue_dma source(%dma_start3A_29 : memref<2048xi32, #tpu.memory_space<hbm>>) target(%arg10 : memref<2048xi32, #tpu.memory_space<vmem>>) target_semaphore(%arg22 : memref<!tpu.dma_semaphore, #tpu.memory_space<semaphore_mem>>)
    %dma_start3A_30 = tpu.memref_slice %arg5[%multiple_of3A] : memref<6400000xf32, #tpu.memory_space<hbm>> -> memref<2048xf32, #tpu.memory_space<hbm>>
    %dma_start3A_31 = tpu.memref_slice %arg5[%multiple_of3A] : memref<6400000xf32, #tpu.memory_space<hbm>> -> memref<2048xf32, #tpu.memory_space<hbm>>
    tpu.enqueue_dma source(%dma_start3A_31 : memref<2048xf32, #tpu.memory_space<hbm>>) target(%arg11 : memref<2048xf32, #tpu.memory_space<vmem>>) target_semaphore(%arg22 : memref<!tpu.dma_semaphore, #tpu.memory_space<semaphore_mem>>)
    %dma_start3A_32 = tpu.memref_slice %arg6[%multiple_of3A] : memref<6400000xi32, #tpu.memory_space<hbm>> -> memref<2048xi32, #tpu.memory_space<hbm>>
    %dma_start3A_33 = tpu.memref_slice %arg6[%multiple_of3A] : memref<6400000xi32, #tpu.memory_space<hbm>> -> memref<2048xi32, #tpu.memory_space<hbm>>
    tpu.enqueue_dma source(%dma_start3A_33 : memref<2048xi32, #tpu.memory_space<hbm>>) target(%arg12 : memref<2048xi32, #tpu.memory_space<vmem>>) target_semaphore(%arg22 : memref<!tpu.dma_semaphore, #tpu.memory_space<semaphore_mem>>)
    %mul3A_34 = arith.constant 399360 : i32
    %mul3A_35 = arith.muli %arg1, %mul3A_34 : i32
    %add3A_36 = arith.constant 2048 : i32
    %add3A_37 = arith.addi %mul3A_35, %add3A_36 : i32
    %multiple_of3A_38 = tpu.assume_multiple %add3A_37, 128 : i32
    %dma_start3A_39 = tpu.memref_slice %arg4[%multiple_of3A_38] : memref<6400000xi32, #tpu.memory_space<hbm>> -> memref<2048xi32, #tpu.memory_space<hbm>>
    %dma_start3A_40 = tpu.memref_slice %arg4[%multiple_of3A_38] : memref<6400000xi32, #tpu.memory_space<hbm>> -> memref<2048xi32, #tpu.memory_space<hbm>>
    tpu.enqueue_dma source(%dma_start3A_40 : memref<2048xi32, #tpu.memory_space<hbm>>) target(%arg13 : memref<2048xi32, #tpu.memory_space<vmem>>) target_semaphore(%arg23 : memref<!tpu.dma_semaphore, #tpu.memory_space<semaphore_mem>>)
    %dma_start3A_41 = tpu.memref_slice %arg5[%multiple_of3A_38] : memref<6400000xf32, #tpu.memory_space<hbm>> -> memref<2048xf32, #tpu.memory_space<hbm>>
    %dma_start3A_42 = tpu.memref_slice %arg5[%multiple_of3A_38] : memref<6400000xf32, #tpu.memory_space<hbm>> -> memref<2048xf32, #tpu.memory_space<hbm>>
    tpu.enqueue_dma source(%dma_start3A_42 : memref<2048xf32, #tpu.memory_space<hbm>>) target(%arg14 : memref<2048xf32, #tpu.memory_space<vmem>>) target_semaphore(%arg23 : memref<!tpu.dma_semaphore, #tpu.memory_space<semaphore_mem>>)
    %dma_start3A_43 = tpu.memref_slice %arg6[%multiple_of3A_38] : memref<6400000xi32, #tpu.memory_space<hbm>> -> memref<2048xi32, #tpu.memory_space<hbm>>
    %dma_start3A_44 = tpu.memref_slice %arg6[%multiple_of3A_38] : memref<6400000xi32, #tpu.memory_space<hbm>> -> memref<2048xi32, #tpu.memory_space<hbm>>
    tpu.enqueue_dma source(%dma_start3A_44 : memref<2048xi32, #tpu.memory_space<hbm>>) target(%arg15 : memref<2048xi32, #tpu.memory_space<vmem>>) target_semaphore(%arg23 : memref<!tpu.dma_semaphore, #tpu.memory_space<semaphore_mem>>)
    %scan3A_45 = arith.constant 0 : i32
    %scan3A_46 = arith.constant 0 : i32
    %scan3A_47 = arith.constant 49 : i32
    %scan3A_48 = arith.addi %scan3A_46, %scan3A_47 : i32
    %scan3A_49 = arith.constant 1 : i32
    %scan3A_50 = scf.for %scan3A_75 = %scan3A_46 to %scan3A_48 step %scan3A_49 iter_args(%scan3A_76 = %scan3A_45) -> (i32)  : i32 {
      %mul3A_77 = arith.constant 4 : i32
      %mul3A_78 = arith.muli %scan3A_75, %mul3A_77 : i32
      %add3A_79 = arith.constant 0 : i32
      %add3A_80 = arith.addi %mul3A_78, %add3A_79 : i32
      %add3A_81 = arith.constant 2 : i32
      %add3A_82 = arith.addi %add3A_80, %add3A_81 : i32
      %lt3A_83 = arith.constant 195 : i32
      %lt3A_84 = arith.cmpi slt, %add3A_82, %lt3A_83 : i32
      %convert_element_type3A_85 = arith.extui %lt3A_84 : i1 to i32
      %cond3A_86 = arith.constant 0 : i32
      %cond3A_87 = arith.cmpi ne, %convert_element_type3A_85, %cond3A_86 : i32
      scf.if %cond3A_87 {
        %ge3A = arith.constant 2 : i32
        %ge3A_142 = arith.cmpi sge, %add3A_80, %ge3A : i32
        %convert_element_type3A_143 = arith.extui %ge3A_142 : i1 to i32
        %cond3A_144 = arith.constant 0 : i32
        %cond3A_145 = arith.cmpi ne, %convert_element_type3A_143, %cond3A_144 : i32
        scf.if %cond3A_145 {
          %dma_wait3A_160 = arith.constant 0 : i32
          %dma_wait3A_161 = tpu.memref_slice %arg30[%dma_wait3A_160] : memref<100096xf32, #tpu.memory_space<vmem_shared>> -> memref<100096xf32, #tpu.memory_space<vmem_shared>>
          tpu.wait_indirect_dma semaphore(%arg28 : memref<!tpu.dma_semaphore, #tpu.memory_space<semaphore_mem>>) src(%arg17 : memref<2048xf32, #tpu.memory_space<vmem>>) dst(%dma_wait3A_161 : memref<100096xf32, #tpu.memory_space<vmem_shared>>)
        } else {
        }
        %add3A_146 = arith.constant 2 : i32
        %add3A_147 = arith.addi %add3A_80, %add3A_146 : i32
        %mul3A_148 = arith.constant 399360 : i32
        %mul3A_149 = arith.muli %arg1, %mul3A_148 : i32
        %mul3A_150 = arith.constant 2048 : i32
        %mul3A_151 = arith.muli %add3A_147, %mul3A_150 : i32
        %add3A_152 = arith.addi %mul3A_149, %mul3A_151 : i32
        %multiple_of3A_153 = tpu.assume_multiple %add3A_152, 128 : i32
        %dma_start3A_154 = tpu.memref_slice %arg4[%multiple_of3A_153] : memref<6400000xi32, #tpu.memory_space<hbm>> -> memref<2048xi32, #tpu.memory_space<hbm>>
        %dma_start3A_155 = tpu.memref_slice %arg4[%multiple_of3A_153] : memref<6400000xi32, #tpu.memory_space<hbm>> -> memref<2048xi32, #tpu.memory_space<hbm>>
        tpu.enqueue_dma source(%dma_start3A_155 : memref<2048xi32, #tpu.memory_space<hbm>>) target(%arg16 : memref<2048xi32, #tpu.memory_space<vmem>>) target_semaphore(%arg24 : memref<!tpu.dma_semaphore, #tpu.memory_space<semaphore_mem>>)
        %dma_start3A_156 = tpu.memref_slice %arg5[%multiple_of3A_153] : memref<6400000xf32, #tpu.memory_space<hbm>> -> memref<2048xf32, #tpu.memory_space<hbm>>
        %dma_start3A_157 = tpu.memref_slice %arg5[%multiple_of3A_153] : memref<6400000xf32, #tpu.memory_space<hbm>> -> memref<2048xf32, #tpu.memory_space<hbm>>
        tpu.enqueue_dma source(%dma_start3A_157 : memref<2048xf32, #tpu.memory_space<hbm>>) target(%arg17 : memref<2048xf32, #tpu.memory_space<vmem>>) target_semaphore(%arg24 : memref<!tpu.dma_semaphore, #tpu.memory_space<semaphore_mem>>)
        %dma_start3A_158 = tpu.memref_slice %arg6[%multiple_of3A_153] : memref<6400000xi32, #tpu.memory_space<hbm>> -> memref<2048xi32, #tpu.memory_space<hbm>>
        %dma_start3A_159 = tpu.memref_slice %arg6[%multiple_of3A_153] : memref<6400000xi32, #tpu.memory_space<hbm>> -> memref<2048xi32, #tpu.memory_space<hbm>>
        tpu.enqueue_dma source(%dma_start3A_159 : memref<2048xi32, #tpu.memory_space<hbm>>) target(%arg18 : memref<2048xi32, #tpu.memory_space<vmem>>) target_semaphore(%arg24 : memref<!tpu.dma_semaphore, #tpu.memory_space<semaphore_mem>>)
      } else {
      }
      %lt3A_88 = arith.constant 195 : i32
      %lt3A_89 = arith.cmpi slt, %add3A_80, %lt3A_88 : i32
      %convert_element_type3A_90 = arith.extui %lt3A_89 : i1 to i32
      %cond3A_91 = arith.constant 0 : i32
      %cond3A_92 = arith.cmpi ne, %convert_element_type3A_90, %cond3A_91 : i32
      scf.if %cond3A_92 {
        %mul3A_142 = arith.constant 399360 : i32
        %mul3A_143 = arith.muli %arg1, %mul3A_142 : i32
        %mul3A_144 = arith.constant 2048 : i32
        %mul3A_145 = arith.muli %add3A_80, %mul3A_144 : i32
        %add3A_146 = arith.addi %mul3A_143, %mul3A_145 : i32
        %multiple_of3A_147 = tpu.assume_multiple %add3A_146, 128 : i32
        %dma_wait3A_148 = tpu.memref_slice %arg4[%multiple_of3A_147] : memref<6400000xi32, #tpu.memory_space<hbm>> -> memref<2048xi32, #tpu.memory_space<hbm>>
        %dma_wait3A_149 = tpu.memref_slice %arg4[%multiple_of3A_147] : memref<6400000xi32, #tpu.memory_space<hbm>> -> memref<2048xi32, #tpu.memory_space<hbm>>
        tpu.wait_dma2 semaphore(%arg22 : memref<!tpu.dma_semaphore, #tpu.memory_space<semaphore_mem>>) src(%dma_wait3A_149 : memref<2048xi32, #tpu.memory_space<hbm>>) dst(%arg10 : memref<2048xi32, #tpu.memory_space<vmem>>)
        %dma_wait3A_150 = tpu.memref_slice %arg5[%multiple_of3A_147] : memref<6400000xf32, #tpu.memory_space<hbm>> -> memref<2048xf32, #tpu.memory_space<hbm>>
        %dma_wait3A_151 = tpu.memref_slice %arg5[%multiple_of3A_147] : memref<6400000xf32, #tpu.memory_space<hbm>> -> memref<2048xf32, #tpu.memory_space<hbm>>
        tpu.wait_dma2 semaphore(%arg22 : memref<!tpu.dma_semaphore, #tpu.memory_space<semaphore_mem>>) src(%dma_wait3A_151 : memref<2048xf32, #tpu.memory_space<hbm>>) dst(%arg11 : memref<2048xf32, #tpu.memory_space<vmem>>)
        %dma_wait3A_152 = tpu.memref_slice %arg6[%multiple_of3A_147] : memref<6400000xi32, #tpu.memory_space<hbm>> -> memref<2048xi32, #tpu.memory_space<hbm>>
        %dma_wait3A_153 = tpu.memref_slice %arg6[%multiple_of3A_147] : memref<6400000xi32, #tpu.memory_space<hbm>> -> memref<2048xi32, #tpu.memory_space<hbm>>
        tpu.wait_dma2 semaphore(%arg22 : memref<!tpu.dma_semaphore, #tpu.memory_space<semaphore_mem>>) src(%dma_wait3A_153 : memref<2048xi32, #tpu.memory_space<hbm>>) dst(%arg12 : memref<2048xi32, #tpu.memory_space<vmem>>)
        %parallel_loop3A = arith.constant 0 : i32
        %parallel_loop3A_154 = arith.constant 2048 : i32
        %parallel_loop3A_155 = arith.constant 16 : i32
        scf.for %parallel_loop3A_158 = %parallel_loop3A to %parallel_loop3A_154 step %parallel_loop3A_155  : i32 {
          %parallel_loop3A_159 = arith.index_cast %parallel_loop3A_158 : i32 to index
          %parallel_loop3A_160 = tpu.vector_load %arg10[%parallel_loop3A_159] {strides = array<i32>} : memref<2048xi32, #tpu.memory_space<vmem>>, vector<16xi32>,
          %parallel_loop3A_161 = tpu.vector_load_idx %arg9[%parallel_loop3A_160] : memref<100096xf32, #tpu.memory_space<vmem>>[vector<16xi32>], vector<16xf32>,
          %parallel_loop3A_162 = arith.index_cast %parallel_loop3A_158 : i32 to index
          %parallel_loop3A_163 = tpu.vector_load %arg11[%parallel_loop3A_162] {strides = array<i32>} : memref<2048xf32, #tpu.memory_space<vmem>>, vector<16xf32>,
          %parallel_loop3A_164 = arith.mulf %parallel_loop3A_163, %parallel_loop3A_161 : vector<16xf32>
          %parallel_loop3A_165 = arith.index_cast %parallel_loop3A_158 : i32 to index
          %parallel_loop3A_166 = tpu.vector_load %arg11[%parallel_loop3A_165] {strides = array<i32>} : memref<2048xf32, #tpu.memory_space<vmem>>, vector<16xf32>,
          tpu.vector_store %arg11[%parallel_loop3A_165], %parallel_loop3A_164 {strides = array<i32>} : memref<2048xf32, #tpu.memory_space<vmem>>, vector<16xf32>,
        } {sc.loop_unroll_factor = 8 : i64, sc.parallel_access}
        %dma_start3A_156 = arith.constant 0 : i32
        %dma_start3A_157 = tpu.memref_slice %arg30[%dma_start3A_156] : memref<100096xf32, #tpu.memory_space<vmem_shared>> -> memref<100096xf32, #tpu.memory_space<vmem_shared>>
        tpu.enqueue_indirect_dma source(%arg11 : memref<2048xf32, #tpu.memory_space<vmem>>) target(%dma_start3A_157 : memref<100096xf32, #tpu.memory_space<vmem_shared>>) offsets(%arg12 : memref<2048xi32, #tpu.memory_space<vmem>>) semaphore(%arg26 : memref<!tpu.dma_semaphore, #tpu.memory_space<semaphore_mem>>) {add = true}
      } else {
      }
      %mul3A_93 = arith.constant 4 : i32
      %mul3A_94 = arith.muli %scan3A_75, %mul3A_93 : i32
      %add3A_95 = arith.constant 1 : i32
      %add3A_96 = arith.addi %mul3A_94, %add3A_95 : i32
      %add3A_97 = arith.constant 2 : i32
      %add3A_98 = arith.addi %add3A_96, %add3A_97 : i32
      %lt3A_99 = arith.constant 195 : i32
      %lt3A_100 = arith.cmpi slt, %add3A_98, %lt3A_99 : i32
      %convert_element_type3A_101 = arith.extui %lt3A_100 : i1 to i32
      %cond3A_102 = arith.constant 0 : i32
      %cond3A_103 = arith.cmpi ne, %convert_element_type3A_101, %cond3A_102 : i32
      scf.if %cond3A_103 {
        %ge3A = arith.constant 2 : i32
        %ge3A_142 = arith.cmpi sge, %add3A_96, %ge3A : i32
        %convert_element_type3A_143 = arith.extui %ge3A_142 : i1 to i32
        %cond3A_144 = arith.constant 0 : i32
        %cond3A_145 = arith.cmpi ne, %convert_element_type3A_143, %cond3A_144 : i32
        scf.if %cond3A_145 {
          %dma_wait3A_160 = arith.constant 0 : i32
          %dma_wait3A_161 = tpu.memref_slice %arg30[%dma_wait3A_160] : memref<100096xf32, #tpu.memory_space<vmem_shared>> -> memref<100096xf32, #tpu.memory_space<vmem_shared>>
          tpu.wait_indirect_dma semaphore(%arg29 : memref<!tpu.dma_semaphore, #tpu.memory_space<semaphore_mem>>) src(%arg20 : memref<2048xf32, #tpu.memory_space<vmem>>) dst(%dma_wait3A_161 : memref<100096xf32, #tpu.memory_space<vmem_shared>>)
        } else {
        }
        %add3A_146 = arith.constant 2 : i32
        %add3A_147 = arith.addi %add3A_96, %add3A_146 : i32
        %mul3A_148 = arith.constant 399360 : i32
        %mul3A_149 = arith.muli %arg1, %mul3A_148 : i32
        %mul3A_150 = arith.constant 2048 : i32
        %mul3A_151 = arith.muli %add3A_147, %mul3A_150 : i32
        %add3A_152 = arith.addi %mul3A_149, %mul3A_151 : i32
        %multiple_of3A_153 = tpu.assume_multiple %add3A_152, 128 : i32
        %dma_start3A_154 = tpu.memref_slice %arg4[%multiple_of3A_153] : memref<6400000xi32, #tpu.memory_space<hbm>> -> memref<2048xi32, #tpu.memory_space<hbm>>
        %dma_start3A_155 = tpu.memref_slice %arg4[%multiple_of3A_153] : memref<6400000xi32, #tpu.memory_space<hbm>> -> memref<2048xi32, #tpu.memory_space<hbm>>
        tpu.enqueue_dma source(%dma_start3A_155 : memref<2048xi32, #tpu.memory_space<hbm>>) target(%arg19 : memref<2048xi32, #tpu.memory_space<vmem>>) target_semaphore(%arg25 : memref<!tpu.dma_semaphore, #tpu.memory_space<semaphore_mem>>)
        %dma_start3A_156 = tpu.memref_slice %arg5[%multiple_of3A_153] : memref<6400000xf32, #tpu.memory_space<hbm>> -> memref<2048xf32, #tpu.memory_space<hbm>>
        %dma_start3A_157 = tpu.memref_slice %arg5[%multiple_of3A_153] : memref<6400000xf32, #tpu.memory_space<hbm>> -> memref<2048xf32, #tpu.memory_space<hbm>>
        tpu.enqueue_dma source(%dma_start3A_157 : memref<2048xf32, #tpu.memory_space<hbm>>) target(%arg20 : memref<2048xf32, #tpu.memory_space<vmem>>) target_semaphore(%arg25 : memref<!tpu.dma_semaphore, #tpu.memory_space<semaphore_mem>>)
        %dma_start3A_158 = tpu.memref_slice %arg6[%multiple_of3A_153] : memref<6400000xi32, #tpu.memory_space<hbm>> -> memref<2048xi32, #tpu.memory_space<hbm>>
        %dma_start3A_159 = tpu.memref_slice %arg6[%multiple_of3A_153] : memref<6400000xi32, #tpu.memory_space<hbm>> -> memref<2048xi32, #tpu.memory_space<hbm>>
        tpu.enqueue_dma source(%dma_start3A_159 : memref<2048xi32, #tpu.memory_space<hbm>>) target(%arg21 : memref<2048xi32, #tpu.memory_space<vmem>>) target_semaphore(%arg25 : memref<!tpu.dma_semaphore, #tpu.memory_space<semaphore_mem>>)
      } else {
      }
      %lt3A_104 = arith.constant 195 : i32
      %lt3A_105 = arith.cmpi slt, %add3A_96, %lt3A_104 : i32
      %convert_element_type3A_106 = arith.extui %lt3A_105 : i1 to i32
      %cond3A_107 = arith.constant 0 : i32
      %cond3A_108 = arith.cmpi ne, %convert_element_type3A_106, %cond3A_107 : i32
      scf.if %cond3A_108 {
        %mul3A_142 = arith.constant 399360 : i32
        %mul3A_143 = arith.muli %arg1, %mul3A_142 : i32
        %mul3A_144 = arith.constant 2048 : i32
        %mul3A_145 = arith.muli %add3A_96, %mul3A_144 : i32
        %add3A_146 = arith.addi %mul3A_143, %mul3A_145 : i32
        %multiple_of3A_147 = tpu.assume_multiple %add3A_146, 128 : i32
        %dma_wait3A_148 = tpu.memref_slice %arg4[%multiple_of3A_147] : memref<6400000xi32, #tpu.memory_space<hbm>> -> memref<2048xi32, #tpu.memory_space<hbm>>
        %dma_wait3A_149 = tpu.memref_slice %arg4[%multiple_of3A_147] : memref<6400000xi32, #tpu.memory_space<hbm>> -> memref<2048xi32, #tpu.memory_space<hbm>>
        tpu.wait_dma2 semaphore(%arg23 : memref<!tpu.dma_semaphore, #tpu.memory_space<semaphore_mem>>) src(%dma_wait3A_149 : memref<2048xi32, #tpu.memory_space<hbm>>) dst(%arg13 : memref<2048xi32, #tpu.memory_space<vmem>>)
        %dma_wait3A_150 = tpu.memref_slice %arg5[%multiple_of3A_147] : memref<6400000xf32, #tpu.memory_space<hbm>> -> memref<2048xf32, #tpu.memory_space<hbm>>
        %dma_wait3A_151 = tpu.memref_slice %arg5[%multiple_of3A_147] : memref<6400000xf32, #tpu.memory_space<hbm>> -> memref<2048xf32, #tpu.memory_space<hbm>>
        tpu.wait_dma2 semaphore(%arg23 : memref<!tpu.dma_semaphore, #tpu.memory_space<semaphore_mem>>) src(%dma_wait3A_151 : memref<2048xf32, #tpu.memory_space<hbm>>) dst(%arg14 : memref<2048xf32, #tpu.memory_space<vmem>>)
        %dma_wait3A_152 = tpu.memref_slice %arg6[%multiple_of3A_147] : memref<6400000xi32, #tpu.memory_space<hbm>> -> memref<2048xi32, #tpu.memory_space<hbm>>
        %dma_wait3A_153 = tpu.memref_slice %arg6[%multiple_of3A_147] : memref<6400000xi32, #tpu.memory_space<hbm>> -> memref<2048xi32, #tpu.memory_space<hbm>>
        tpu.wait_dma2 semaphore(%arg23 : memref<!tpu.dma_semaphore, #tpu.memory_space<semaphore_mem>>) src(%dma_wait3A_153 : memref<2048xi32, #tpu.memory_space<hbm>>) dst(%arg15 : memref<2048xi32, #tpu.memory_space<vmem>>)
        %parallel_loop3A = arith.constant 0 : i32
        %parallel_loop3A_154 = arith.constant 2048 : i32
        %parallel_loop3A_155 = arith.constant 16 : i32
        scf.for %parallel_loop3A_158 = %parallel_loop3A to %parallel_loop3A_154 step %parallel_loop3A_155  : i32 {
          %parallel_loop3A_159 = arith.index_cast %parallel_loop3A_158 : i32 to index
          %parallel_loop3A_160 = tpu.vector_load %arg13[%parallel_loop3A_159] {strides = array<i32>} : memref<2048xi32, #tpu.memory_space<vmem>>, vector<16xi32>,
          %parallel_loop3A_161 = tpu.vector_load_idx %arg9[%parallel_loop3A_160] : memref<100096xf32, #tpu.memory_space<vmem>>[vector<16xi32>], vector<16xf32>,
          %parallel_loop3A_162 = arith.index_cast %parallel_loop3A_158 : i32 to index
          %parallel_loop3A_163 = tpu.vector_load %arg14[%parallel_loop3A_162] {strides = array<i32>} : memref<2048xf32, #tpu.memory_space<vmem>>, vector<16xf32>,
          %parallel_loop3A_164 = arith.mulf %parallel_loop3A_163, %parallel_loop3A_161 : vector<16xf32>
          %parallel_loop3A_165 = arith.index_cast %parallel_loop3A_158 : i32 to index
          %parallel_loop3A_166 = tpu.vector_load %arg14[%parallel_loop3A_165] {strides = array<i32>} : memref<2048xf32, #tpu.memory_space<vmem>>, vector<16xf32>,
          tpu.vector_store %arg14[%parallel_loop3A_165], %parallel_loop3A_164 {strides = array<i32>} : memref<2048xf32, #tpu.memory_space<vmem>>, vector<16xf32>,
        } {sc.loop_unroll_factor = 8 : i64, sc.parallel_access}
        %dma_start3A_156 = arith.constant 0 : i32
        %dma_start3A_157 = tpu.memref_slice %arg30[%dma_start3A_156] : memref<100096xf32, #tpu.memory_space<vmem_shared>> -> memref<100096xf32, #tpu.memory_space<vmem_shared>>
        tpu.enqueue_indirect_dma source(%arg14 : memref<2048xf32, #tpu.memory_space<vmem>>) target(%dma_start3A_157 : memref<100096xf32, #tpu.memory_space<vmem_shared>>) offsets(%arg15 : memref<2048xi32, #tpu.memory_space<vmem>>) semaphore(%arg27 : memref<!tpu.dma_semaphore, #tpu.memory_space<semaphore_mem>>) {add = true}
      } else {
      }
      %mul3A_109 = arith.constant 4 : i32
      %mul3A_110 = arith.muli %scan3A_75, %mul3A_109 : i32
      %add3A_111 = arith.constant 2 : i32
      %add3A_112 = arith.addi %mul3A_110, %add3A_111 : i32
      %add3A_113 = arith.constant 2 : i32
      %add3A_114 = arith.addi %add3A_112, %add3A_113 : i32
      %lt3A_115 = arith.constant 195 : i32
      %lt3A_116 = arith.cmpi slt, %add3A_114, %lt3A_115 : i32
      %convert_element_type3A_117 = arith.extui %lt3A_116 : i1 to i32
      %cond3A_118 = arith.constant 0 : i32
      %cond3A_119 = arith.cmpi ne, %convert_element_type3A_117, %cond3A_118 : i32
      scf.if %cond3A_119 {
        %ge3A = arith.constant 2 : i32
        %ge3A_142 = arith.cmpi sge, %add3A_112, %ge3A : i32
        %convert_element_type3A_143 = arith.extui %ge3A_142 : i1 to i32
        %cond3A_144 = arith.constant 0 : i32
        %cond3A_145 = arith.cmpi ne, %convert_element_type3A_143, %cond3A_144 : i32
        scf.if %cond3A_145 {
          %dma_wait3A_160 = arith.constant 0 : i32
          %dma_wait3A_161 = tpu.memref_slice %arg30[%dma_wait3A_160] : memref<100096xf32, #tpu.memory_space<vmem_shared>> -> memref<100096xf32, #tpu.memory_space<vmem_shared>>
          tpu.wait_indirect_dma semaphore(%arg26 : memref<!tpu.dma_semaphore, #tpu.memory_space<semaphore_mem>>) src(%arg11 : memref<2048xf32, #tpu.memory_space<vmem>>) dst(%dma_wait3A_161 : memref<100096xf32, #tpu.memory_space<vmem_shared>>)
        } else {
        }
        %add3A_146 = arith.constant 2 : i32
        %add3A_147 = arith.addi %add3A_112, %add3A_146 : i32
        %mul3A_148 = arith.constant 399360 : i32
        %mul3A_149 = arith.muli %arg1, %mul3A_148 : i32
        %mul3A_150 = arith.constant 2048 : i32
        %mul3A_151 = arith.muli %add3A_147, %mul3A_150 : i32
        %add3A_152 = arith.addi %mul3A_149, %mul3A_151 : i32
        %multiple_of3A_153 = tpu.assume_multiple %add3A_152, 128 : i32
        %dma_start3A_154 = tpu.memref_slice %arg4[%multiple_of3A_153] : memref<6400000xi32, #tpu.memory_space<hbm>> -> memref<2048xi32, #tpu.memory_space<hbm>>
        %dma_start3A_155 = tpu.memref_slice %arg4[%multiple_of3A_153] : memref<6400000xi32, #tpu.memory_space<hbm>> -> memref<2048xi32, #tpu.memory_space<hbm>>
        tpu.enqueue_dma source(%dma_start3A_155 : memref<2048xi32, #tpu.memory_space<hbm>>) target(%arg10 : memref<2048xi32, #tpu.memory_space<vmem>>) target_semaphore(%arg22 : memref<!tpu.dma_semaphore, #tpu.memory_space<semaphore_mem>>)
        %dma_start3A_156 = tpu.memref_slice %arg5[%multiple_of3A_153] : memref<6400000xf32, #tpu.memory_space<hbm>> -> memref<2048xf32, #tpu.memory_space<hbm>>
        %dma_start3A_157 = tpu.memref_slice %arg5[%multiple_of3A_153] : memref<6400000xf32, #tpu.memory_space<hbm>> -> memref<2048xf32, #tpu.memory_space<hbm>>
        tpu.enqueue_dma source(%dma_start3A_157 : memref<2048xf32, #tpu.memory_space<hbm>>) target(%arg11 : memref<2048xf32, #tpu.memory_space<vmem>>) target_semaphore(%arg22 : memref<!tpu.dma_semaphore, #tpu.memory_space<semaphore_mem>>)
        %dma_start3A_158 = tpu.memref_slice %arg6[%multiple_of3A_153] : memref<6400000xi32, #tpu.memory_space<hbm>> -> memref<2048xi32, #tpu.memory_space<hbm>>
        %dma_start3A_159 = tpu.memref_slice %arg6[%multiple_of3A_153] : memref<6400000xi32, #tpu.memory_space<hbm>> -> memref<2048xi32, #tpu.memory_space<hbm>>
        tpu.enqueue_dma source(%dma_start3A_159 : memref<2048xi32, #tpu.memory_space<hbm>>) target(%arg12 : memref<2048xi32, #tpu.memory_space<vmem>>) target_semaphore(%arg22 : memref<!tpu.dma_semaphore, #tpu.memory_space<semaphore_mem>>)
      } else {
      }
      %lt3A_120 = arith.constant 195 : i32
      %lt3A_121 = arith.cmpi slt, %add3A_112, %lt3A_120 : i32
      %convert_element_type3A_122 = arith.extui %lt3A_121 : i1 to i32
      %cond3A_123 = arith.constant 0 : i32
      %cond3A_124 = arith.cmpi ne, %convert_element_type3A_122, %cond3A_123 : i32
      scf.if %cond3A_124 {
        %mul3A_142 = arith.constant 399360 : i32
        %mul3A_143 = arith.muli %arg1, %mul3A_142 : i32
        %mul3A_144 = arith.constant 2048 : i32
        %mul3A_145 = arith.muli %add3A_112, %mul3A_144 : i32
        %add3A_146 = arith.addi %mul3A_143, %mul3A_145 : i32
        %multiple_of3A_147 = tpu.assume_multiple %add3A_146, 128 : i32
        %dma_wait3A_148 = tpu.memref_slice %arg4[%multiple_of3A_147] : memref<6400000xi32, #tpu.memory_space<hbm>> -> memref<2048xi32, #tpu.memory_space<hbm>>
        %dma_wait3A_149 = tpu.memref_slice %arg4[%multiple_of3A_147] : memref<6400000xi32, #tpu.memory_space<hbm>> -> memref<2048xi32, #tpu.memory_space<hbm>>
        tpu.wait_dma2 semaphore(%arg24 : memref<!tpu.dma_semaphore, #tpu.memory_space<semaphore_mem>>) src(%dma_wait3A_149 : memref<2048xi32, #tpu.memory_space<hbm>>) dst(%arg16 : memref<2048xi32, #tpu.memory_space<vmem>>)
        %dma_wait3A_150 = tpu.memref_slice %arg5[%multiple_of3A_147] : memref<6400000xf32, #tpu.memory_space<hbm>> -> memref<2048xf32, #tpu.memory_space<hbm>>
        %dma_wait3A_151 = tpu.memref_slice %arg5[%multiple_of3A_147] : memref<6400000xf32, #tpu.memory_space<hbm>> -> memref<2048xf32, #tpu.memory_space<hbm>>
        tpu.wait_dma2 semaphore(%arg24 : memref<!tpu.dma_semaphore, #tpu.memory_space<semaphore_mem>>) src(%dma_wait3A_151 : memref<2048xf32, #tpu.memory_space<hbm>>) dst(%arg17 : memref<2048xf32, #tpu.memory_space<vmem>>)
        %dma_wait3A_152 = tpu.memref_slice %arg6[%multiple_of3A_147] : memref<6400000xi32, #tpu.memory_space<hbm>> -> memref<2048xi32, #tpu.memory_space<hbm>>
        %dma_wait3A_153 = tpu.memref_slice %arg6[%multiple_of3A_147] : memref<6400000xi32, #tpu.memory_space<hbm>> -> memref<2048xi32, #tpu.memory_space<hbm>>
        tpu.wait_dma2 semaphore(%arg24 : memref<!tpu.dma_semaphore, #tpu.memory_space<semaphore_mem>>) src(%dma_wait3A_153 : memref<2048xi32, #tpu.memory_space<hbm>>) dst(%arg18 : memref<2048xi32, #tpu.memory_space<vmem>>)
        %parallel_loop3A = arith.constant 0 : i32
        %parallel_loop3A_154 = arith.constant 2048 : i32
        %parallel_loop3A_155 = arith.constant 16 : i32
        scf.for %parallel_loop3A_158 = %parallel_loop3A to %parallel_loop3A_154 step %parallel_loop3A_155  : i32 {
          %parallel_loop3A_159 = arith.index_cast %parallel_loop3A_158 : i32 to index
          %parallel_loop3A_160 = tpu.vector_load %arg16[%parallel_loop3A_159] {strides = array<i32>} : memref<2048xi32, #tpu.memory_space<vmem>>, vector<16xi32>,
          %parallel_loop3A_161 = tpu.vector_load_idx %arg9[%parallel_loop3A_160] : memref<100096xf32, #tpu.memory_space<vmem>>[vector<16xi32>], vector<16xf32>,
          %parallel_loop3A_162 = arith.index_cast %parallel_loop3A_158 : i32 to index
          %parallel_loop3A_163 = tpu.vector_load %arg17[%parallel_loop3A_162] {strides = array<i32>} : memref<2048xf32, #tpu.memory_space<vmem>>, vector<16xf32>,
          %parallel_loop3A_164 = arith.mulf %parallel_loop3A_163, %parallel_loop3A_161 : vector<16xf32>
          %parallel_loop3A_165 = arith.index_cast %parallel_loop3A_158 : i32 to index
          %parallel_loop3A_166 = tpu.vector_load %arg17[%parallel_loop3A_165] {strides = array<i32>} : memref<2048xf32, #tpu.memory_space<vmem>>, vector<16xf32>,
          tpu.vector_store %arg17[%parallel_loop3A_165], %parallel_loop3A_164 {strides = array<i32>} : memref<2048xf32, #tpu.memory_space<vmem>>, vector<16xf32>,
        } {sc.loop_unroll_factor = 8 : i64, sc.parallel_access}
        %dma_start3A_156 = arith.constant 0 : i32
        %dma_start3A_157 = tpu.memref_slice %arg30[%dma_start3A_156] : memref<100096xf32, #tpu.memory_space<vmem_shared>> -> memref<100096xf32, #tpu.memory_space<vmem_shared>>
        tpu.enqueue_indirect_dma source(%arg17 : memref<2048xf32, #tpu.memory_space<vmem>>) target(%dma_start3A_157 : memref<100096xf32, #tpu.memory_space<vmem_shared>>) offsets(%arg18 : memref<2048xi32, #tpu.memory_space<vmem>>) semaphore(%arg28 : memref<!tpu.dma_semaphore, #tpu.memory_space<semaphore_mem>>) {add = true}
      } else {
      }
      %mul3A_125 = arith.constant 4 : i32
      %mul3A_126 = arith.muli %scan3A_75, %mul3A_125 : i32
      %add3A_127 = arith.constant 3 : i32
      %add3A_128 = arith.addi %mul3A_126, %add3A_127 : i32
      %add3A_129 = arith.constant 2 : i32
      %add3A_130 = arith.addi %add3A_128, %add3A_129 : i32
      %lt3A_131 = arith.constant 195 : i32
      %lt3A_132 = arith.cmpi slt, %add3A_130, %lt3A_131 : i32
      %convert_element_type3A_133 = arith.extui %lt3A_132 : i1 to i32
      %cond3A_134 = arith.constant 0 : i32
      %cond3A_135 = arith.cmpi ne, %convert_element_type3A_133, %cond3A_134 : i32
      scf.if %cond3A_135 {
        %ge3A = arith.constant 2 : i32
        %ge3A_142 = arith.cmpi sge, %add3A_128, %ge3A : i32
        %convert_element_type3A_143 = arith.extui %ge3A_142 : i1 to i32
        %cond3A_144 = arith.constant 0 : i32
        %cond3A_145 = arith.cmpi ne, %convert_element_type3A_143, %cond3A_144 : i32
        scf.if %cond3A_145 {
          %dma_wait3A_160 = arith.constant 0 : i32
          %dma_wait3A_161 = tpu.memref_slice %arg30[%dma_wait3A_160] : memref<100096xf32, #tpu.memory_space<vmem_shared>> -> memref<100096xf32, #tpu.memory_space<vmem_shared>>
          tpu.wait_indirect_dma semaphore(%arg27 : memref<!tpu.dma_semaphore, #tpu.memory_space<semaphore_mem>>) src(%arg14 : memref<2048xf32, #tpu.memory_space<vmem>>) dst(%dma_wait3A_161 : memref<100096xf32, #tpu.memory_space<vmem_shared>>)
        } else {
        }
        %add3A_146 = arith.constant 2 : i32
        %add3A_147 = arith.addi %add3A_128, %add3A_146 : i32
        %mul3A_148 = arith.constant 399360 : i32
        %mul3A_149 = arith.muli %arg1, %mul3A_148 : i32
        %mul3A_150 = arith.constant 2048 : i32
        %mul3A_151 = arith.muli %add3A_147, %mul3A_150 : i32
        %add3A_152 = arith.addi %mul3A_149, %mul3A_151 : i32
        %multiple_of3A_153 = tpu.assume_multiple %add3A_152, 128 : i32
        %dma_start3A_154 = tpu.memref_slice %arg4[%multiple_of3A_153] : memref<6400000xi32, #tpu.memory_space<hbm>> -> memref<2048xi32, #tpu.memory_space<hbm>>
        %dma_start3A_155 = tpu.memref_slice %arg4[%multiple_of3A_153] : memref<6400000xi32, #tpu.memory_space<hbm>> -> memref<2048xi32, #tpu.memory_space<hbm>>
        tpu.enqueue_dma source(%dma_start3A_155 : memref<2048xi32, #tpu.memory_space<hbm>>) target(%arg13 : memref<2048xi32, #tpu.memory_space<vmem>>) target_semaphore(%arg23 : memref<!tpu.dma_semaphore, #tpu.memory_space<semaphore_mem>>)
        %dma_start3A_156 = tpu.memref_slice %arg5[%multiple_of3A_153] : memref<6400000xf32, #tpu.memory_space<hbm>> -> memref<2048xf32, #tpu.memory_space<hbm>>
        %dma_start3A_157 = tpu.memref_slice %arg5[%multiple_of3A_153] : memref<6400000xf32, #tpu.memory_space<hbm>> -> memref<2048xf32, #tpu.memory_space<hbm>>
        tpu.enqueue_dma source(%dma_start3A_157 : memref<2048xf32, #tpu.memory_space<hbm>>) target(%arg14 : memref<2048xf32, #tpu.memory_space<vmem>>) target_semaphore(%arg23 : memref<!tpu.dma_semaphore, #tpu.memory_space<semaphore_mem>>)
        %dma_start3A_158 = tpu.memref_slice %arg6[%multiple_of3A_153] : memref<6400000xi32, #tpu.memory_space<hbm>> -> memref<2048xi32, #tpu.memory_space<hbm>>
        %dma_start3A_159 = tpu.memref_slice %arg6[%multiple_of3A_153] : memref<6400000xi32, #tpu.memory_space<hbm>> -> memref<2048xi32, #tpu.memory_space<hbm>>
        tpu.enqueue_dma source(%dma_start3A_159 : memref<2048xi32, #tpu.memory_space<hbm>>) target(%arg15 : memref<2048xi32, #tpu.memory_space<vmem>>) target_semaphore(%arg23 : memref<!tpu.dma_semaphore, #tpu.memory_space<semaphore_mem>>)
      } else {
      }
      %lt3A_136 = arith.constant 195 : i32
      %lt3A_137 = arith.cmpi slt, %add3A_128, %lt3A_136 : i32
      %convert_element_type3A_138 = arith.extui %lt3A_137 : i1 to i32
      %cond3A_139 = arith.constant 0 : i32
      %cond3A_140 = arith.cmpi ne, %convert_element_type3A_138, %cond3A_139 : i32
      scf.if %cond3A_140 {
        %mul3A_142 = arith.constant 399360 : i32
        %mul3A_143 = arith.muli %arg1, %mul3A_142 : i32
        %mul3A_144 = arith.constant 2048 : i32
        %mul3A_145 = arith.muli %add3A_128, %mul3A_144 : i32
        %add3A_146 = arith.addi %mul3A_143, %mul3A_145 : i32
        %multiple_of3A_147 = tpu.assume_multiple %add3A_146, 128 : i32
        %dma_wait3A_148 = tpu.memref_slice %arg4[%multiple_of3A_147] : memref<6400000xi32, #tpu.memory_space<hbm>> -> memref<2048xi32, #tpu.memory_space<hbm>>
        %dma_wait3A_149 = tpu.memref_slice %arg4[%multiple_of3A_147] : memref<6400000xi32, #tpu.memory_space<hbm>> -> memref<2048xi32, #tpu.memory_space<hbm>>
        tpu.wait_dma2 semaphore(%arg25 : memref<!tpu.dma_semaphore, #tpu.memory_space<semaphore_mem>>) src(%dma_wait3A_149 : memref<2048xi32, #tpu.memory_space<hbm>>) dst(%arg19 : memref<2048xi32, #tpu.memory_space<vmem>>)
        %dma_wait3A_150 = tpu.memref_slice %arg5[%multiple_of3A_147] : memref<6400000xf32, #tpu.memory_space<hbm>> -> memref<2048xf32, #tpu.memory_space<hbm>>
        %dma_wait3A_151 = tpu.memref_slice %arg5[%multiple_of3A_147] : memref<6400000xf32, #tpu.memory_space<hbm>> -> memref<2048xf32, #tpu.memory_space<hbm>>
        tpu.wait_dma2 semaphore(%arg25 : memref<!tpu.dma_semaphore, #tpu.memory_space<semaphore_mem>>) src(%dma_wait3A_151 : memref<2048xf32, #tpu.memory_space<hbm>>) dst(%arg20 : memref<2048xf32, #tpu.memory_space<vmem>>)
        %dma_wait3A_152 = tpu.memref_slice %arg6[%multiple_of3A_147] : memref<6400000xi32, #tpu.memory_space<hbm>> -> memref<2048xi32, #tpu.memory_space<hbm>>
        %dma_wait3A_153 = tpu.memref_slice %arg6[%multiple_of3A_147] : memref<6400000xi32, #tpu.memory_space<hbm>> -> memref<2048xi32, #tpu.memory_space<hbm>>
        tpu.wait_dma2 semaphore(%arg25 : memref<!tpu.dma_semaphore, #tpu.memory_space<semaphore_mem>>) src(%dma_wait3A_153 : memref<2048xi32, #tpu.memory_space<hbm>>) dst(%arg21 : memref<2048xi32, #tpu.memory_space<vmem>>)
        %parallel_loop3A = arith.constant 0 : i32
        %parallel_loop3A_154 = arith.constant 2048 : i32
        %parallel_loop3A_155 = arith.constant 16 : i32
        scf.for %parallel_loop3A_158 = %parallel_loop3A to %parallel_loop3A_154 step %parallel_loop3A_155  : i32 {
          %parallel_loop3A_159 = arith.index_cast %parallel_loop3A_158 : i32 to index
          %parallel_loop3A_160 = tpu.vector_load %arg19[%parallel_loop3A_159] {strides = array<i32>} : memref<2048xi32, #tpu.memory_space<vmem>>, vector<16xi32>,
          %parallel_loop3A_161 = tpu.vector_load_idx %arg9[%parallel_loop3A_160] : memref<100096xf32, #tpu.memory_space<vmem>>[vector<16xi32>], vector<16xf32>,
          %parallel_loop3A_162 = arith.index_cast %parallel_loop3A_158 : i32 to index
          %parallel_loop3A_163 = tpu.vector_load %arg20[%parallel_loop3A_162] {strides = array<i32>} : memref<2048xf32, #tpu.memory_space<vmem>>, vector<16xf32>,
          %parallel_loop3A_164 = arith.mulf %parallel_loop3A_163, %parallel_loop3A_161 : vector<16xf32>
          %parallel_loop3A_165 = arith.index_cast %parallel_loop3A_158 : i32 to index
          %parallel_loop3A_166 = tpu.vector_load %arg20[%parallel_loop3A_165] {strides = array<i32>} : memref<2048xf32, #tpu.memory_space<vmem>>, vector<16xf32>,
          tpu.vector_store %arg20[%parallel_loop3A_165], %parallel_loop3A_164 {strides = array<i32>} : memref<2048xf32, #tpu.memory_space<vmem>>, vector<16xf32>,
        } {sc.loop_unroll_factor = 8 : i64, sc.parallel_access}
        %dma_start3A_156 = arith.constant 0 : i32
        %dma_start3A_157 = tpu.memref_slice %arg30[%dma_start3A_156] : memref<100096xf32, #tpu.memory_space<vmem_shared>> -> memref<100096xf32, #tpu.memory_space<vmem_shared>>
        tpu.enqueue_indirect_dma source(%arg20 : memref<2048xf32, #tpu.memory_space<vmem>>) target(%dma_start3A_157 : memref<100096xf32, #tpu.memory_space<vmem_shared>>) offsets(%arg21 : memref<2048xi32, #tpu.memory_space<vmem>>) semaphore(%arg29 : memref<!tpu.dma_semaphore, #tpu.memory_space<semaphore_mem>>) {add = true}
      } else {
      }
      %scan3A_141 = arith.constant 0 : i32
      scf.yield %scan3A_141 : i32
    }
    %scan3A_51 = arith.constant 49 : i32
    %dma_wait3A_52 = arith.constant 0 : i32
    %dma_wait3A_53 = tpu.memref_slice %arg30[%dma_wait3A_52] : memref<100096xf32, #tpu.memory_space<vmem_shared>> -> memref<100096xf32, #tpu.memory_space<vmem_shared>>
    tpu.wait_indirect_dma semaphore(%arg26 : memref<!tpu.dma_semaphore, #tpu.memory_space<semaphore_mem>>) src(%arg11 : memref<2048xf32, #tpu.memory_space<vmem>>) dst(%dma_wait3A_53 : memref<100096xf32, #tpu.memory_space<vmem_shared>>)
    %dma_wait3A_54 = arith.constant 0 : i32
    %dma_wait3A_55 = tpu.memref_slice %arg30[%dma_wait3A_54] : memref<100096xf32, #tpu.memory_space<vmem_shared>> -> memref<100096xf32, #tpu.memory_space<vmem_shared>>
    tpu.wait_indirect_dma semaphore(%arg27 : memref<!tpu.dma_semaphore, #tpu.memory_space<semaphore_mem>>) src(%arg14 : memref<2048xf32, #tpu.memory_space<vmem>>) dst(%dma_wait3A_55 : memref<100096xf32, #tpu.memory_space<vmem_shared>>)
    %dma_wait3A_56 = arith.constant 0 : i32
    %dma_wait3A_57 = tpu.memref_slice %arg30[%dma_wait3A_56] : memref<100096xf32, #tpu.memory_space<vmem_shared>> -> memref<100096xf32, #tpu.memory_space<vmem_shared>>
    tpu.wait_indirect_dma semaphore(%arg28 : memref<!tpu.dma_semaphore, #tpu.memory_space<semaphore_mem>>) src(%arg17 : memref<2048xf32, #tpu.memory_space<vmem>>) dst(%dma_wait3A_57 : memref<100096xf32, #tpu.memory_space<vmem_shared>>)
    %dma_wait3A_58 = arith.constant 0 : i32
    %dma_wait3A_59 = tpu.memref_slice %arg30[%dma_wait3A_58] : memref<100096xf32, #tpu.memory_space<vmem_shared>> -> memref<100096xf32, #tpu.memory_space<vmem_shared>>
    tpu.wait_indirect_dma semaphore(%arg29 : memref<!tpu.dma_semaphore, #tpu.memory_space<semaphore_mem>>) src(%arg20 : memref<2048xf32, #tpu.memory_space<vmem>>) dst(%dma_wait3A_59 : memref<100096xf32, #tpu.memory_space<vmem_shared>>)
    %lt3A = arith.constant 5 : i32
    %lt3A_60 = arith.cmpi slt, %arg1, %lt3A : i32
    %convert_element_type3A_61 = arith.extui %lt3A_60 : i1 to i32
    %cond3A_62 = arith.constant 0 : i32
    %cond3A_63 = arith.cmpi ne, %convert_element_type3A_61, %cond3A_62 : i32
    scf.if %cond3A_63 {
      %mul3A_75 = arith.constant 2048 : i32
      %mul3A_76 = arith.muli %arg1, %mul3A_75 : i32
      %add3A_77 = arith.constant 6389760 : i32
      %add3A_78 = arith.addi %add3A_77, %mul3A_76 : i32
      %multiple_of3A_79 = tpu.assume_multiple %add3A_78, 128 : i32
      "tpu.region"() ({
        %run_scoped3A = tpu.sem_alloc : memref<!tpu.dma_semaphore, #tpu.memory_space<semaphore_mem>>
        %dma_start3A_82 = tpu.memref_slice %arg4[%multiple_of3A_79] : memref<6400000xi32, #tpu.memory_space<hbm>> -> memref<2048xi32, #tpu.memory_space<hbm>>
        %dma_start3A_83 = tpu.memref_slice %arg4[%multiple_of3A_79] : memref<6400000xi32, #tpu.memory_space<hbm>> -> memref<2048xi32, #tpu.memory_space<hbm>>
        tpu.enqueue_dma source(%dma_start3A_83 : memref<2048xi32, #tpu.memory_space<hbm>>) target(%arg10 : memref<2048xi32, #tpu.memory_space<vmem>>) target_semaphore(%run_scoped3A : memref<!tpu.dma_semaphore, #tpu.memory_space<semaphore_mem>>)
        %dma_wait3A_84 = tpu.memref_slice %arg4[%multiple_of3A_79] : memref<6400000xi32, #tpu.memory_space<hbm>> -> memref<2048xi32, #tpu.memory_space<hbm>>
        %dma_wait3A_85 = tpu.memref_slice %arg4[%multiple_of3A_79] : memref<6400000xi32, #tpu.memory_space<hbm>> -> memref<2048xi32, #tpu.memory_space<hbm>>
        tpu.wait_dma2 semaphore(%run_scoped3A : memref<!tpu.dma_semaphore, #tpu.memory_space<semaphore_mem>>) src(%dma_wait3A_85 : memref<2048xi32, #tpu.memory_space<hbm>>) dst(%arg10 : memref<2048xi32, #tpu.memory_space<vmem>>)
        tpu.yield
      }) : () -> ()
      "tpu.region"() ({
        %run_scoped3A = tpu.sem_alloc : memref<!tpu.dma_semaphore, #tpu.memory_space<semaphore_mem>>
        %dma_start3A_82 = tpu.memref_slice %arg5[%multiple_of3A_79] : memref<6400000xf32, #tpu.memory_space<hbm>> -> memref<2048xf32, #tpu.memory_space<hbm>>
        %dma_start3A_83 = tpu.memref_slice %arg5[%multiple_of3A_79] : memref<6400000xf32, #tpu.memory_space<hbm>> -> memref<2048xf32, #tpu.memory_space<hbm>>
        tpu.enqueue_dma source(%dma_start3A_83 : memref<2048xf32, #tpu.memory_space<hbm>>) target(%arg11 : memref<2048xf32, #tpu.memory_space<vmem>>) target_semaphore(%run_scoped3A : memref<!tpu.dma_semaphore, #tpu.memory_space<semaphore_mem>>)
        %dma_wait3A_84 = tpu.memref_slice %arg5[%multiple_of3A_79] : memref<6400000xf32, #tpu.memory_space<hbm>> -> memref<2048xf32, #tpu.memory_space<hbm>>
        %dma_wait3A_85 = tpu.memref_slice %arg5[%multiple_of3A_79] : memref<6400000xf32, #tpu.memory_space<hbm>> -> memref<2048xf32, #tpu.memory_space<hbm>>
        tpu.wait_dma2 semaphore(%run_scoped3A : memref<!tpu.dma_semaphore, #tpu.memory_space<semaphore_mem>>) src(%dma_wait3A_85 : memref<2048xf32, #tpu.memory_space<hbm>>) dst(%arg11 : memref<2048xf32, #tpu.memory_space<vmem>>)
        tpu.yield
      }) : () -> ()
      "tpu.region"() ({
        %run_scoped3A = tpu.sem_alloc : memref<!tpu.dma_semaphore, #tpu.memory_space<semaphore_mem>>
        %dma_start3A_82 = tpu.memref_slice %arg6[%multiple_of3A_79] : memref<6400000xi32, #tpu.memory_space<hbm>> -> memref<2048xi32, #tpu.memory_space<hbm>>
        %dma_start3A_83 = tpu.memref_slice %arg6[%multiple_of3A_79] : memref<6400000xi32, #tpu.memory_space<hbm>> -> memref<2048xi32, #tpu.memory_space<hbm>>
        tpu.enqueue_dma source(%dma_start3A_83 : memref<2048xi32, #tpu.memory_space<hbm>>) target(%arg12 : memref<2048xi32, #tpu.memory_space<vmem>>) target_semaphore(%run_scoped3A : memref<!tpu.dma_semaphore, #tpu.memory_space<semaphore_mem>>)
        %dma_wait3A_84 = tpu.memref_slice %arg6[%multiple_of3A_79] : memref<6400000xi32, #tpu.memory_space<hbm>> -> memref<2048xi32, #tpu.memory_space<hbm>>
        %dma_wait3A_85 = tpu.memref_slice %arg6[%multiple_of3A_79] : memref<6400000xi32, #tpu.memory_space<hbm>> -> memref<2048xi32, #tpu.memory_space<hbm>>
        tpu.wait_dma2 semaphore(%run_scoped3A : memref<!tpu.dma_semaphore, #tpu.memory_space<semaphore_mem>>) src(%dma_wait3A_85 : memref<2048xi32, #tpu.memory_space<hbm>>) dst(%arg12 : memref<2048xi32, #tpu.memory_space<vmem>>)
        tpu.yield
      }) : () -> ()
      %parallel_loop3A = arith.constant 0 : i32
      %parallel_loop3A_80 = arith.constant 2048 : i32
      %parallel_loop3A_81 = arith.constant 16 : i32
      scf.for %parallel_loop3A_82 = %parallel_loop3A to %parallel_loop3A_80 step %parallel_loop3A_81  : i32 {
        %parallel_loop3A_83 = arith.index_cast %parallel_loop3A_82 : i32 to index
        %parallel_loop3A_84 = tpu.vector_load %arg10[%parallel_loop3A_83] {strides = array<i32>} : memref<2048xi32, #tpu.memory_space<vmem>>, vector<16xi32>,
        %parallel_loop3A_85 = tpu.vector_load_idx %arg9[%parallel_loop3A_84] : memref<100096xf32, #tpu.memory_space<vmem>>[vector<16xi32>], vector<16xf32>,
        %parallel_loop3A_86 = arith.index_cast %parallel_loop3A_82 : i32 to index
        %parallel_loop3A_87 = tpu.vector_load %arg11[%parallel_loop3A_86] {strides = array<i32>} : memref<2048xf32, #tpu.memory_space<vmem>>, vector<16xf32>,
        %parallel_loop3A_88 = arith.mulf %parallel_loop3A_87, %parallel_loop3A_85 : vector<16xf32>
        %parallel_loop3A_89 = arith.index_cast %parallel_loop3A_82 : i32 to index
        %parallel_loop3A_90 = tpu.vector_load %arg11[%parallel_loop3A_89] {strides = array<i32>} : memref<2048xf32, #tpu.memory_space<vmem>>, vector<16xf32>,
        tpu.vector_store %arg11[%parallel_loop3A_89], %parallel_loop3A_88 {strides = array<i32>} : memref<2048xf32, #tpu.memory_space<vmem>>, vector<16xf32>,
      } {sc.loop_unroll_factor = 8 : i64, sc.parallel_access}
      "tpu.region"() ({
        %run_scoped3A = tpu.sem_alloc : memref<!tpu.dma_semaphore, #tpu.memory_space<semaphore_mem>>
        %dma_start3A_82 = arith.constant 0 : i32
        %dma_start3A_83 = tpu.memref_slice %arg30[%dma_start3A_82] : memref<100096xf32, #tpu.memory_space<vmem_shared>> -> memref<100096xf32, #tpu.memory_space<vmem_shared>>
        tpu.enqueue_indirect_dma source(%arg11 : memref<2048xf32, #tpu.memory_space<vmem>>) target(%dma_start3A_83 : memref<100096xf32, #tpu.memory_space<vmem_shared>>) offsets(%arg12 : memref<2048xi32, #tpu.memory_space<vmem>>) semaphore(%run_scoped3A : memref<!tpu.dma_semaphore, #tpu.memory_space<semaphore_mem>>) {add = true}
        %dma_wait3A_84 = arith.constant 0 : i32
        %dma_wait3A_85 = tpu.memref_slice %arg30[%dma_wait3A_84] : memref<100096xf32, #tpu.memory_space<vmem_shared>> -> memref<100096xf32, #tpu.memory_space<vmem_shared>>
        tpu.wait_indirect_dma semaphore(%run_scoped3A : memref<!tpu.dma_semaphore, #tpu.memory_space<semaphore_mem>>) src(%arg11 : memref<2048xf32, #tpu.memory_space<vmem>>) dst(%dma_wait3A_85 : memref<100096xf32, #tpu.memory_space<vmem_shared>>)
        tpu.yield
      }) : () -> ()
    } else {
    }
    %barrier3A_64 = arith.constant 0 : index
    tpu.barrier barrier_id(%barrier3A_64)
    %eq3A_65 = arith.constant 0 : i32
    %eq3A_66 = arith.cmpi eq, %arg0, %eq3A_65 : i32
    %convert_element_type3A_67 = arith.extui %eq3A_66 : i1 to i32
    %cond3A_68 = arith.constant 0 : i32
    %cond3A_69 = arith.cmpi ne, %convert_element_type3A_67, %cond3A_68 : i32
    scf.if %cond3A_69 {
      %add3A_75 = arith.constant 0 : i32
      %add3A_76 = arith.addi %mul3A_14, %add3A_75 : i32
      "tpu.region"() ({
        %run_scoped3A = tpu.sem_alloc : memref<!tpu.dma_semaphore, #tpu.memory_space<semaphore_mem>>
        %dma_start3A_91 = arith.constant 0 : i32
        %dma_start3A_92 = tpu.memref_slice %arg11[%dma_start3A_91] : memref<2048xf32, #tpu.memory_space<vmem>> -> memref<2048xf32, #tpu.memory_space<vmem>>
        %dma_start3A_93 = tpu.memref_slice %arg30[%add3A_76] : memref<100096xf32, #tpu.memory_space<vmem_shared>> -> memref<2048xf32, #tpu.memory_space<vmem_shared>>
        %dma_start3A_94 = arith.constant 0 : i32
        %dma_start3A_95 = tpu.memref_slice %arg11[%dma_start3A_94] : memref<2048xf32, #tpu.memory_space<vmem>> -> memref<2048xf32, #tpu.memory_space<vmem>>
        %dma_start3A_96 = tpu.memref_slice %arg30[%add3A_76] : memref<100096xf32, #tpu.memory_space<vmem_shared>> -> memref<2048xf32, #tpu.memory_space<vmem_shared>>
        tpu.enqueue_dma source(%dma_start3A_96 : memref<2048xf32, #tpu.memory_space<vmem_shared>>) target(%dma_start3A_95 : memref<2048xf32, #tpu.memory_space<vmem>>) target_semaphore(%run_scoped3A : memref<!tpu.dma_semaphore, #tpu.memory_space<semaphore_mem>>)
        %dma_wait3A_97 = arith.constant 0 : i32
        %dma_wait3A_98 = tpu.memref_slice %arg11[%dma_wait3A_97] : memref<2048xf32, #tpu.memory_space<vmem>> -> memref<2048xf32, #tpu.memory_space<vmem>>
        %dma_wait3A_99 = tpu.memref_slice %arg30[%add3A_76] : memref<100096xf32, #tpu.memory_space<vmem_shared>> -> memref<2048xf32, #tpu.memory_space<vmem_shared>>
        %dma_wait3A_100 = arith.constant 0 : i32
        %dma_wait3A_101 = tpu.memref_slice %arg11[%dma_wait3A_100] : memref<2048xf32, #tpu.memory_space<vmem>> -> memref<2048xf32, #tpu.memory_space<vmem>>
        %dma_wait3A_102 = tpu.memref_slice %arg30[%add3A_76] : memref<100096xf32, #tpu.memory_space<vmem_shared>> -> memref<2048xf32, #tpu.memory_space<vmem_shared>>
        tpu.wait_dma2 semaphore(%run_scoped3A : memref<!tpu.dma_semaphore, #tpu.memory_space<semaphore_mem>>) src(%dma_wait3A_102 : memref<2048xf32, #tpu.memory_space<vmem_shared>>) dst(%dma_wait3A_101 : memref<2048xf32, #tpu.memory_space<vmem>>)
        tpu.yield
      }) : () -> ()
      %add3A_77 = arith.constant 0 : i32
      %add3A_78 = arith.addi %mul3A_14, %add3A_77 : i32
      "tpu.region"() ({
        %run_scoped3A = tpu.sem_alloc : memref<!tpu.dma_semaphore, #tpu.memory_space<semaphore_mem>>
        %dma_start3A_91 = arith.constant 0 : i32
        %dma_start3A_92 = tpu.memref_slice %arg11[%dma_start3A_91] : memref<2048xf32, #tpu.memory_space<vmem>> -> memref<2048xf32, #tpu.memory_space<vmem>>
        %dma_start3A_93 = tpu.memref_slice %arg7[%add3A_78] : memref<100096xf32, #tpu.memory_space<hbm>> -> memref<2048xf32, #tpu.memory_space<hbm>>
        %dma_start3A_94 = tpu.memref_slice %arg7[%add3A_78] : memref<100096xf32, #tpu.memory_space<hbm>> -> memref<2048xf32, #tpu.memory_space<hbm>>
        %dma_start3A_95 = arith.constant 0 : i32
        %dma_start3A_96 = tpu.memref_slice %arg11[%dma_start3A_95] : memref<2048xf32, #tpu.memory_space<vmem>> -> memref<2048xf32, #tpu.memory_space<vmem>>
        tpu.enqueue_dma source(%dma_start3A_96 : memref<2048xf32, #tpu.memory_space<vmem>>) target(%dma_start3A_94 : memref<2048xf32, #tpu.memory_space<hbm>>) target_semaphore(%run_scoped3A : memref<!tpu.dma_semaphore, #tpu.memory_space<semaphore_mem>>)
        %dma_wait3A_97 = arith.constant 0 : i32
        %dma_wait3A_98 = tpu.memref_slice %arg11[%dma_wait3A_97] : memref<2048xf32, #tpu.memory_space<vmem>> -> memref<2048xf32, #tpu.memory_space<vmem>>
        %dma_wait3A_99 = tpu.memref_slice %arg7[%add3A_78] : memref<100096xf32, #tpu.memory_space<hbm>> -> memref<2048xf32, #tpu.memory_space<hbm>>
        %dma_wait3A_100 = tpu.memref_slice %arg7[%add3A_78] : memref<100096xf32, #tpu.memory_space<hbm>> -> memref<2048xf32, #tpu.memory_space<hbm>>
        %dma_wait3A_101 = arith.constant 0 : i32
        %dma_wait3A_102 = tpu.memref_slice %arg11[%dma_wait3A_101] : memref<2048xf32, #tpu.memory_space<vmem>> -> memref<2048xf32, #tpu.memory_space<vmem>>
        tpu.wait_dma2 semaphore(%run_scoped3A : memref<!tpu.dma_semaphore, #tpu.memory_space<semaphore_mem>>) src(%dma_wait3A_102 : memref<2048xf32, #tpu.memory_space<vmem>>) dst(%dma_wait3A_100 : memref<2048xf32, #tpu.memory_space<hbm>>)
        tpu.yield
      }) : () -> ()
      %add3A_79 = arith.constant 2048 : i32
      %add3A_80 = arith.addi %mul3A_14, %add3A_79 : i32
      "tpu.region"() ({
        %run_scoped3A = tpu.sem_alloc : memref<!tpu.dma_semaphore, #tpu.memory_space<semaphore_mem>>
        %dma_start3A_91 = arith.constant 0 : i32
        %dma_start3A_92 = tpu.memref_slice %arg11[%dma_start3A_91] : memref<2048xf32, #tpu.memory_space<vmem>> -> memref<2048xf32, #tpu.memory_space<vmem>>
        %dma_start3A_93 = tpu.memref_slice %arg30[%add3A_80] : memref<100096xf32, #tpu.memory_space<vmem_shared>> -> memref<2048xf32, #tpu.memory_space<vmem_shared>>
        %dma_start3A_94 = arith.constant 0 : i32
        %dma_start3A_95 = tpu.memref_slice %arg11[%dma_start3A_94] : memref<2048xf32, #tpu.memory_space<vmem>> -> memref<2048xf32, #tpu.memory_space<vmem>>
        %dma_start3A_96 = tpu.memref_slice %arg30[%add3A_80] : memref<100096xf32, #tpu.memory_space<vmem_shared>> -> memref<2048xf32, #tpu.memory_space<vmem_shared>>
        tpu.enqueue_dma source(%dma_start3A_96 : memref<2048xf32, #tpu.memory_space<vmem_shared>>) target(%dma_start3A_95 : memref<2048xf32, #tpu.memory_space<vmem>>) target_semaphore(%run_scoped3A : memref<!tpu.dma_semaphore, #tpu.memory_space<semaphore_mem>>)
        %dma_wait3A_97 = arith.constant 0 : i32
        %dma_wait3A_98 = tpu.memref_slice %arg11[%dma_wait3A_97] : memref<2048xf32, #tpu.memory_space<vmem>> -> memref<2048xf32, #tpu.memory_space<vmem>>
        %dma_wait3A_99 = tpu.memref_slice %arg30[%add3A_80] : memref<100096xf32, #tpu.memory_space<vmem_shared>> -> memref<2048xf32, #tpu.memory_space<vmem_shared>>
        %dma_wait3A_100 = arith.constant 0 : i32
        %dma_wait3A_101 = tpu.memref_slice %arg11[%dma_wait3A_100] : memref<2048xf32, #tpu.memory_space<vmem>> -> memref<2048xf32, #tpu.memory_space<vmem>>
        %dma_wait3A_102 = tpu.memref_slice %arg30[%add3A_80] : memref<100096xf32, #tpu.memory_space<vmem_shared>> -> memref<2048xf32, #tpu.memory_space<vmem_shared>>
        tpu.wait_dma2 semaphore(%run_scoped3A : memref<!tpu.dma_semaphore, #tpu.memory_space<semaphore_mem>>) src(%dma_wait3A_102 : memref<2048xf32, #tpu.memory_space<vmem_shared>>) dst(%dma_wait3A_101 : memref<2048xf32, #tpu.memory_space<vmem>>)
        tpu.yield
      }) : () -> ()
      %add3A_81 = arith.constant 2048 : i32
      %add3A_82 = arith.addi %mul3A_14, %add3A_81 : i32
      "tpu.region"() ({
        %run_scoped3A = tpu.sem_alloc : memref<!tpu.dma_semaphore, #tpu.memory_space<semaphore_mem>>
        %dma_start3A_91 = arith.constant 0 : i32
        %dma_start3A_92 = tpu.memref_slice %arg11[%dma_start3A_91] : memref<2048xf32, #tpu.memory_space<vmem>> -> memref<2048xf32, #tpu.memory_space<vmem>>
        %dma_start3A_93 = tpu.memref_slice %arg7[%add3A_82] : memref<100096xf32, #tpu.memory_space<hbm>> -> memref<2048xf32, #tpu.memory_space<hbm>>
        %dma_start3A_94 = tpu.memref_slice %arg7[%add3A_82] : memref<100096xf32, #tpu.memory_space<hbm>> -> memref<2048xf32, #tpu.memory_space<hbm>>
        %dma_start3A_95 = arith.constant 0 : i32
        %dma_start3A_96 = tpu.memref_slice %arg11[%dma_start3A_95] : memref<2048xf32, #tpu.memory_space<vmem>> -> memref<2048xf32, #tpu.memory_space<vmem>>
        tpu.enqueue_dma source(%dma_start3A_96 : memref<2048xf32, #tpu.memory_space<vmem>>) target(%dma_start3A_94 : memref<2048xf32, #tpu.memory_space<hbm>>) target_semaphore(%run_scoped3A : memref<!tpu.dma_semaphore, #tpu.memory_space<semaphore_mem>>)
        %dma_wait3A_97 = arith.constant 0 : i32
        %dma_wait3A_98 = tpu.memref_slice %arg11[%dma_wait3A_97] : memref<2048xf32, #tpu.memory_space<vmem>> -> memref<2048xf32, #tpu.memory_space<vmem>>
        %dma_wait3A_99 = tpu.memref_slice %arg7[%add3A_82] : memref<100096xf32, #tpu.memory_space<hbm>> -> memref<2048xf32, #tpu.memory_space<hbm>>
        %dma_wait3A_100 = tpu.memref_slice %arg7[%add3A_82] : memref<100096xf32, #tpu.memory_space<hbm>> -> memref<2048xf32, #tpu.memory_space<hbm>>
        %dma_wait3A_101 = arith.constant 0 : i32
        %dma_wait3A_102 = tpu.memref_slice %arg11[%dma_wait3A_101] : memref<2048xf32, #tpu.memory_space<vmem>> -> memref<2048xf32, #tpu.memory_space<vmem>>
        tpu.wait_dma2 semaphore(%run_scoped3A : memref<!tpu.dma_semaphore, #tpu.memory_space<semaphore_mem>>) src(%dma_wait3A_102 : memref<2048xf32, #tpu.memory_space<vmem>>) dst(%dma_wait3A_100 : memref<2048xf32, #tpu.memory_space<hbm>>)
        tpu.yield
      }) : () -> ()
      %add3A_83 = arith.constant 4096 : i32
      %add3A_84 = arith.addi %mul3A_14, %add3A_83 : i32
      "tpu.region"() ({
        %run_scoped3A = tpu.sem_alloc : memref<!tpu.dma_semaphore, #tpu.memory_space<semaphore_mem>>
        %dma_start3A_91 = arith.constant 0 : i32
        %dma_start3A_92 = tpu.memref_slice %arg11[%dma_start3A_91] : memref<2048xf32, #tpu.memory_space<vmem>> -> memref<2048xf32, #tpu.memory_space<vmem>>
        %dma_start3A_93 = tpu.memref_slice %arg30[%add3A_84] : memref<100096xf32, #tpu.memory_space<vmem_shared>> -> memref<2048xf32, #tpu.memory_space<vmem_shared>>
        %dma_start3A_94 = arith.constant 0 : i32
        %dma_start3A_95 = tpu.memref_slice %arg11[%dma_start3A_94] : memref<2048xf32, #tpu.memory_space<vmem>> -> memref<2048xf32, #tpu.memory_space<vmem>>
        %dma_start3A_96 = tpu.memref_slice %arg30[%add3A_84] : memref<100096xf32, #tpu.memory_space<vmem_shared>> -> memref<2048xf32, #tpu.memory_space<vmem_shared>>
        tpu.enqueue_dma source(%dma_start3A_96 : memref<2048xf32, #tpu.memory_space<vmem_shared>>) target(%dma_start3A_95 : memref<2048xf32, #tpu.memory_space<vmem>>) target_semaphore(%run_scoped3A : memref<!tpu.dma_semaphore, #tpu.memory_space<semaphore_mem>>)
        %dma_wait3A_97 = arith.constant 0 : i32
        %dma_wait3A_98 = tpu.memref_slice %arg11[%dma_wait3A_97] : memref<2048xf32, #tpu.memory_space<vmem>> -> memref<2048xf32, #tpu.memory_space<vmem>>
        %dma_wait3A_99 = tpu.memref_slice %arg30[%add3A_84] : memref<100096xf32, #tpu.memory_space<vmem_shared>> -> memref<2048xf32, #tpu.memory_space<vmem_shared>>
        %dma_wait3A_100 = arith.constant 0 : i32
        %dma_wait3A_101 = tpu.memref_slice %arg11[%dma_wait3A_100] : memref<2048xf32, #tpu.memory_space<vmem>> -> memref<2048xf32, #tpu.memory_space<vmem>>
        %dma_wait3A_102 = tpu.memref_slice %arg30[%add3A_84] : memref<100096xf32, #tpu.memory_space<vmem_shared>> -> memref<2048xf32, #tpu.memory_space<vmem_shared>>
        tpu.wait_dma2 semaphore(%run_scoped3A : memref<!tpu.dma_semaphore, #tpu.memory_space<semaphore_mem>>) src(%dma_wait3A_102 : memref<2048xf32, #tpu.memory_space<vmem_shared>>) dst(%dma_wait3A_101 : memref<2048xf32, #tpu.memory_space<vmem>>)
        tpu.yield
      }) : () -> ()
      %add3A_85 = arith.constant 4096 : i32
      %add3A_86 = arith.addi %mul3A_14, %add3A_85 : i32
      "tpu.region"() ({
        %run_scoped3A = tpu.sem_alloc : memref<!tpu.dma_semaphore, #tpu.memory_space<semaphore_mem>>
        %dma_start3A_91 = arith.constant 0 : i32
        %dma_start3A_92 = tpu.memref_slice %arg11[%dma_start3A_91] : memref<2048xf32, #tpu.memory_space<vmem>> -> memref<2048xf32, #tpu.memory_space<vmem>>
        %dma_start3A_93 = tpu.memref_slice %arg7[%add3A_86] : memref<100096xf32, #tpu.memory_space<hbm>> -> memref<2048xf32, #tpu.memory_space<hbm>>
        %dma_start3A_94 = tpu.memref_slice %arg7[%add3A_86] : memref<100096xf32, #tpu.memory_space<hbm>> -> memref<2048xf32, #tpu.memory_space<hbm>>
        %dma_start3A_95 = arith.constant 0 : i32
        %dma_start3A_96 = tpu.memref_slice %arg11[%dma_start3A_95] : memref<2048xf32, #tpu.memory_space<vmem>> -> memref<2048xf32, #tpu.memory_space<vmem>>
        tpu.enqueue_dma source(%dma_start3A_96 : memref<2048xf32, #tpu.memory_space<vmem>>) target(%dma_start3A_94 : memref<2048xf32, #tpu.memory_space<hbm>>) target_semaphore(%run_scoped3A : memref<!tpu.dma_semaphore, #tpu.memory_space<semaphore_mem>>)
        %dma_wait3A_97 = arith.constant 0 : i32
        %dma_wait3A_98 = tpu.memref_slice %arg11[%dma_wait3A_97] : memref<2048xf32, #tpu.memory_space<vmem>> -> memref<2048xf32, #tpu.memory_space<vmem>>
        %dma_wait3A_99 = tpu.memref_slice %arg7[%add3A_86] : memref<100096xf32, #tpu.memory_space<hbm>> -> memref<2048xf32, #tpu.memory_space<hbm>>
        %dma_wait3A_100 = tpu.memref_slice %arg7[%add3A_86] : memref<100096xf32, #tpu.memory_space<hbm>> -> memref<2048xf32, #tpu.memory_space<hbm>>
        %dma_wait3A_101 = arith.constant 0 : i32
        %dma_wait3A_102 = tpu.memref_slice %arg11[%dma_wait3A_101] : memref<2048xf32, #tpu.memory_space<vmem>> -> memref<2048xf32, #tpu.memory_space<vmem>>
        tpu.wait_dma2 semaphore(%run_scoped3A : memref<!tpu.dma_semaphore, #tpu.memory_space<semaphore_mem>>) src(%dma_wait3A_102 : memref<2048xf32, #tpu.memory_space<vmem>>) dst(%dma_wait3A_100 : memref<2048xf32, #tpu.memory_space<hbm>>)
        tpu.yield
      }) : () -> ()
      %add3A_87 = arith.constant 6144 : i32
      %add3A_88 = arith.addi %mul3A_14, %add3A_87 : i32
      "tpu.region"() ({
        %run_scoped3A = tpu.sem_alloc : memref<!tpu.dma_semaphore, #tpu.memory_space<semaphore_mem>>
        %dma_start3A_91 = arith.constant 0 : i32
        %dma_start3A_92 = tpu.memref_slice %arg11[%dma_start3A_91] : memref<2048xf32, #tpu.memory_space<vmem>> -> memref<112xf32, #tpu.memory_space<vmem>>
        %dma_start3A_93 = tpu.memref_slice %arg30[%add3A_88] : memref<100096xf32, #tpu.memory_space<vmem_shared>> -> memref<112xf32, #tpu.memory_space<vmem_shared>>
        %dma_start3A_94 = arith.constant 0 : i32
        %dma_start3A_95 = tpu.memref_slice %arg11[%dma_start3A_94] : memref<2048xf32, #tpu.memory_space<vmem>> -> memref<112xf32, #tpu.memory_space<vmem>>
        %dma_start3A_96 = tpu.memref_slice %arg30[%add3A_88] : memref<100096xf32, #tpu.memory_space<vmem_shared>> -> memref<112xf32, #tpu.memory_space<vmem_shared>>
        tpu.enqueue_dma source(%dma_start3A_96 : memref<112xf32, #tpu.memory_space<vmem_shared>>) target(%dma_start3A_95 : memref<112xf32, #tpu.memory_space<vmem>>) target_semaphore(%run_scoped3A : memref<!tpu.dma_semaphore, #tpu.memory_space<semaphore_mem>>)
        %dma_wait3A_97 = arith.constant 0 : i32
        %dma_wait3A_98 = tpu.memref_slice %arg11[%dma_wait3A_97] : memref<2048xf32, #tpu.memory_space<vmem>> -> memref<112xf32, #tpu.memory_space<vmem>>
        %dma_wait3A_99 = tpu.memref_slice %arg30[%add3A_88] : memref<100096xf32, #tpu.memory_space<vmem_shared>> -> memref<112xf32, #tpu.memory_space<vmem_shared>>
        %dma_wait3A_100 = arith.constant 0 : i32
        %dma_wait3A_101 = tpu.memref_slice %arg11[%dma_wait3A_100] : memref<2048xf32, #tpu.memory_space<vmem>> -> memref<112xf32, #tpu.memory_space<vmem>>
        %dma_wait3A_102 = tpu.memref_slice %arg30[%add3A_88] : memref<100096xf32, #tpu.memory_space<vmem_shared>> -> memref<112xf32, #tpu.memory_space<vmem_shared>>
        tpu.wait_dma2 semaphore(%run_scoped3A : memref<!tpu.dma_semaphore, #tpu.memory_space<semaphore_mem>>) src(%dma_wait3A_102 : memref<112xf32, #tpu.memory_space<vmem_shared>>) dst(%dma_wait3A_101 : memref<112xf32, #tpu.memory_space<vmem>>)
        tpu.yield
      }) : () -> ()
      %add3A_89 = arith.constant 6144 : i32
      %add3A_90 = arith.addi %mul3A_14, %add3A_89 : i32
      "tpu.region"() ({
        %run_scoped3A = tpu.sem_alloc : memref<!tpu.dma_semaphore, #tpu.memory_space<semaphore_mem>>
        %dma_start3A_91 = arith.constant 0 : i32
        %dma_start3A_92 = tpu.memref_slice %arg11[%dma_start3A_91] : memref<2048xf32, #tpu.memory_space<vmem>> -> memref<112xf32, #tpu.memory_space<vmem>>
        %dma_start3A_93 = tpu.memref_slice %arg7[%add3A_90] : memref<100096xf32, #tpu.memory_space<hbm>> -> memref<112xf32, #tpu.memory_space<hbm>>
        %dma_start3A_94 = tpu.memref_slice %arg7[%add3A_90] : memref<100096xf32, #tpu.memory_space<hbm>> -> memref<112xf32, #tpu.memory_space<hbm>>
        %dma_start3A_95 = arith.constant 0 : i32
        %dma_start3A_96 = tpu.memref_slice %arg11[%dma_start3A_95] : memref<2048xf32, #tpu.memory_space<vmem>> -> memref<112xf32, #tpu.memory_space<vmem>>
        tpu.enqueue_dma source(%dma_start3A_96 : memref<112xf32, #tpu.memory_space<vmem>>) target(%dma_start3A_94 : memref<112xf32, #tpu.memory_space<hbm>>) target_semaphore(%run_scoped3A : memref<!tpu.dma_semaphore, #tpu.memory_space<semaphore_mem>>)
        %dma_wait3A_97 = arith.constant 0 : i32
        %dma_wait3A_98 = tpu.memref_slice %arg11[%dma_wait3A_97] : memref<2048xf32, #tpu.memory_space<vmem>> -> memref<112xf32, #tpu.memory_space<vmem>>
        %dma_wait3A_99 = tpu.memref_slice %arg7[%add3A_90] : memref<100096xf32, #tpu.memory_space<hbm>> -> memref<112xf32, #tpu.memory_space<hbm>>
        %dma_wait3A_100 = tpu.memref_slice %arg7[%add3A_90] : memref<100096xf32, #tpu.memory_space<hbm>> -> memref<112xf32, #tpu.memory_space<hbm>>
        %dma_wait3A_101 = arith.constant 0 : i32
        %dma_wait3A_102 = tpu.memref_slice %arg11[%dma_wait3A_101] : memref<2048xf32, #tpu.memory_space<vmem>> -> memref<112xf32, #tpu.memory_space<vmem>>
        tpu.wait_dma2 semaphore(%run_scoped3A : memref<!tpu.dma_semaphore, #tpu.memory_space<semaphore_mem>>) src(%dma_wait3A_102 : memref<112xf32, #tpu.memory_space<vmem>>) dst(%dma_wait3A_100 : memref<112xf32, #tpu.memory_space<hbm>>)
        tpu.yield
      }) : () -> ()
    } else {
    }
    %eq3A_70 = arith.constant 1 : i32
    %eq3A_71 = arith.cmpi eq, %arg0, %eq3A_70 : i32
    %convert_element_type3A_72 = arith.extui %eq3A_71 : i1 to i32
    %cond3A_73 = arith.constant 0 : i32
    %cond3A_74 = arith.cmpi ne, %convert_element_type3A_72, %cond3A_73 : i32
    scf.if %cond3A_74 {
      %add3A_75 = arith.constant 0 : i32
      %add3A_76 = arith.addi %mul3A_14, %add3A_75 : i32
      "tpu.region"() ({
        %run_scoped3A = tpu.sem_alloc : memref<!tpu.dma_semaphore, #tpu.memory_space<semaphore_mem>>
        %dma_start3A_91 = arith.constant 0 : i32
        %dma_start3A_92 = tpu.memref_slice %arg11[%dma_start3A_91] : memref<2048xf32, #tpu.memory_space<vmem>> -> memref<2048xf32, #tpu.memory_space<vmem>>
        %dma_start3A_93 = tpu.memref_slice %arg30[%add3A_76] : memref<100096xf32, #tpu.memory_space<vmem_shared>> -> memref<2048xf32, #tpu.memory_space<vmem_shared>>
        %dma_start3A_94 = arith.constant 0 : i32
        %dma_start3A_95 = tpu.memref_slice %arg11[%dma_start3A_94] : memref<2048xf32, #tpu.memory_space<vmem>> -> memref<2048xf32, #tpu.memory_space<vmem>>
        %dma_start3A_96 = tpu.memref_slice %arg30[%add3A_76] : memref<100096xf32, #tpu.memory_space<vmem_shared>> -> memref<2048xf32, #tpu.memory_space<vmem_shared>>
        tpu.enqueue_dma source(%dma_start3A_96 : memref<2048xf32, #tpu.memory_space<vmem_shared>>) target(%dma_start3A_95 : memref<2048xf32, #tpu.memory_space<vmem>>) target_semaphore(%run_scoped3A : memref<!tpu.dma_semaphore, #tpu.memory_space<semaphore_mem>>)
        %dma_wait3A_97 = arith.constant 0 : i32
        %dma_wait3A_98 = tpu.memref_slice %arg11[%dma_wait3A_97] : memref<2048xf32, #tpu.memory_space<vmem>> -> memref<2048xf32, #tpu.memory_space<vmem>>
        %dma_wait3A_99 = tpu.memref_slice %arg30[%add3A_76] : memref<100096xf32, #tpu.memory_space<vmem_shared>> -> memref<2048xf32, #tpu.memory_space<vmem_shared>>
        %dma_wait3A_100 = arith.constant 0 : i32
        %dma_wait3A_101 = tpu.memref_slice %arg11[%dma_wait3A_100] : memref<2048xf32, #tpu.memory_space<vmem>> -> memref<2048xf32, #tpu.memory_space<vmem>>
        %dma_wait3A_102 = tpu.memref_slice %arg30[%add3A_76] : memref<100096xf32, #tpu.memory_space<vmem_shared>> -> memref<2048xf32, #tpu.memory_space<vmem_shared>>
        tpu.wait_dma2 semaphore(%run_scoped3A : memref<!tpu.dma_semaphore, #tpu.memory_space<semaphore_mem>>) src(%dma_wait3A_102 : memref<2048xf32, #tpu.memory_space<vmem_shared>>) dst(%dma_wait3A_101 : memref<2048xf32, #tpu.memory_space<vmem>>)
        tpu.yield
      }) : () -> ()
      %add3A_77 = arith.constant 0 : i32
      %add3A_78 = arith.addi %mul3A_14, %add3A_77 : i32
      "tpu.region"() ({
        %run_scoped3A = tpu.sem_alloc : memref<!tpu.dma_semaphore, #tpu.memory_space<semaphore_mem>>
        %dma_start3A_91 = arith.constant 0 : i32
        %dma_start3A_92 = tpu.memref_slice %arg11[%dma_start3A_91] : memref<2048xf32, #tpu.memory_space<vmem>> -> memref<2048xf32, #tpu.memory_space<vmem>>
        %dma_start3A_93 = tpu.memref_slice %arg8[%add3A_78] : memref<100096xf32, #tpu.memory_space<hbm>> -> memref<2048xf32, #tpu.memory_space<hbm>>
        %dma_start3A_94 = tpu.memref_slice %arg8[%add3A_78] : memref<100096xf32, #tpu.memory_space<hbm>> -> memref<2048xf32, #tpu.memory_space<hbm>>
        %dma_start3A_95 = arith.constant 0 : i32
        %dma_start3A_96 = tpu.memref_slice %arg11[%dma_start3A_95] : memref<2048xf32, #tpu.memory_space<vmem>> -> memref<2048xf32, #tpu.memory_space<vmem>>
        tpu.enqueue_dma source(%dma_start3A_96 : memref<2048xf32, #tpu.memory_space<vmem>>) target(%dma_start3A_94 : memref<2048xf32, #tpu.memory_space<hbm>>) target_semaphore(%run_scoped3A : memref<!tpu.dma_semaphore, #tpu.memory_space<semaphore_mem>>)
        %dma_wait3A_97 = arith.constant 0 : i32
        %dma_wait3A_98 = tpu.memref_slice %arg11[%dma_wait3A_97] : memref<2048xf32, #tpu.memory_space<vmem>> -> memref<2048xf32, #tpu.memory_space<vmem>>
        %dma_wait3A_99 = tpu.memref_slice %arg8[%add3A_78] : memref<100096xf32, #tpu.memory_space<hbm>> -> memref<2048xf32, #tpu.memory_space<hbm>>
        %dma_wait3A_100 = tpu.memref_slice %arg8[%add3A_78] : memref<100096xf32, #tpu.memory_space<hbm>> -> memref<2048xf32, #tpu.memory_space<hbm>>
        %dma_wait3A_101 = arith.constant 0 : i32
        %dma_wait3A_102 = tpu.memref_slice %arg11[%dma_wait3A_101] : memref<2048xf32, #tpu.memory_space<vmem>> -> memref<2048xf32, #tpu.memory_space<vmem>>
        tpu.wait_dma2 semaphore(%run_scoped3A : memref<!tpu.dma_semaphore, #tpu.memory_space<semaphore_mem>>) src(%dma_wait3A_102 : memref<2048xf32, #tpu.memory_space<vmem>>) dst(%dma_wait3A_100 : memref<2048xf32, #tpu.memory_space<hbm>>)
        tpu.yield
      }) : () -> ()
      %add3A_79 = arith.constant 2048 : i32
      %add3A_80 = arith.addi %mul3A_14, %add3A_79 : i32
      "tpu.region"() ({
        %run_scoped3A = tpu.sem_alloc : memref<!tpu.dma_semaphore, #tpu.memory_space<semaphore_mem>>
        %dma_start3A_91 = arith.constant 0 : i32
        %dma_start3A_92 = tpu.memref_slice %arg11[%dma_start3A_91] : memref<2048xf32, #tpu.memory_space<vmem>> -> memref<2048xf32, #tpu.memory_space<vmem>>
        %dma_start3A_93 = tpu.memref_slice %arg30[%add3A_80] : memref<100096xf32, #tpu.memory_space<vmem_shared>> -> memref<2048xf32, #tpu.memory_space<vmem_shared>>
        %dma_start3A_94 = arith.constant 0 : i32
        %dma_start3A_95 = tpu.memref_slice %arg11[%dma_start3A_94] : memref<2048xf32, #tpu.memory_space<vmem>> -> memref<2048xf32, #tpu.memory_space<vmem>>
        %dma_start3A_96 = tpu.memref_slice %arg30[%add3A_80] : memref<100096xf32, #tpu.memory_space<vmem_shared>> -> memref<2048xf32, #tpu.memory_space<vmem_shared>>
        tpu.enqueue_dma source(%dma_start3A_96 : memref<2048xf32, #tpu.memory_space<vmem_shared>>) target(%dma_start3A_95 : memref<2048xf32, #tpu.memory_space<vmem>>) target_semaphore(%run_scoped3A : memref<!tpu.dma_semaphore, #tpu.memory_space<semaphore_mem>>)
        %dma_wait3A_97 = arith.constant 0 : i32
        %dma_wait3A_98 = tpu.memref_slice %arg11[%dma_wait3A_97] : memref<2048xf32, #tpu.memory_space<vmem>> -> memref<2048xf32, #tpu.memory_space<vmem>>
        %dma_wait3A_99 = tpu.memref_slice %arg30[%add3A_80] : memref<100096xf32, #tpu.memory_space<vmem_shared>> -> memref<2048xf32, #tpu.memory_space<vmem_shared>>
        %dma_wait3A_100 = arith.constant 0 : i32
        %dma_wait3A_101 = tpu.memref_slice %arg11[%dma_wait3A_100] : memref<2048xf32, #tpu.memory_space<vmem>> -> memref<2048xf32, #tpu.memory_space<vmem>>
        %dma_wait3A_102 = tpu.memref_slice %arg30[%add3A_80] : memref<100096xf32, #tpu.memory_space<vmem_shared>> -> memref<2048xf32, #tpu.memory_space<vmem_shared>>
        tpu.wait_dma2 semaphore(%run_scoped3A : memref<!tpu.dma_semaphore, #tpu.memory_space<semaphore_mem>>) src(%dma_wait3A_102 : memref<2048xf32, #tpu.memory_space<vmem_shared>>) dst(%dma_wait3A_101 : memref<2048xf32, #tpu.memory_space<vmem>>)
        tpu.yield
      }) : () -> ()
      %add3A_81 = arith.constant 2048 : i32
      %add3A_82 = arith.addi %mul3A_14, %add3A_81 : i32
      "tpu.region"() ({
        %run_scoped3A = tpu.sem_alloc : memref<!tpu.dma_semaphore, #tpu.memory_space<semaphore_mem>>
        %dma_start3A_91 = arith.constant 0 : i32
        %dma_start3A_92 = tpu.memref_slice %arg11[%dma_start3A_91] : memref<2048xf32, #tpu.memory_space<vmem>> -> memref<2048xf32, #tpu.memory_space<vmem>>
        %dma_start3A_93 = tpu.memref_slice %arg8[%add3A_82] : memref<100096xf32, #tpu.memory_space<hbm>> -> memref<2048xf32, #tpu.memory_space<hbm>>
        %dma_start3A_94 = tpu.memref_slice %arg8[%add3A_82] : memref<100096xf32, #tpu.memory_space<hbm>> -> memref<2048xf32, #tpu.memory_space<hbm>>
        %dma_start3A_95 = arith.constant 0 : i32
        %dma_start3A_96 = tpu.memref_slice %arg11[%dma_start3A_95] : memref<2048xf32, #tpu.memory_space<vmem>> -> memref<2048xf32, #tpu.memory_space<vmem>>
        tpu.enqueue_dma source(%dma_start3A_96 : memref<2048xf32, #tpu.memory_space<vmem>>) target(%dma_start3A_94 : memref<2048xf32, #tpu.memory_space<hbm>>) target_semaphore(%run_scoped3A : memref<!tpu.dma_semaphore, #tpu.memory_space<semaphore_mem>>)
        %dma_wait3A_97 = arith.constant 0 : i32
        %dma_wait3A_98 = tpu.memref_slice %arg11[%dma_wait3A_97] : memref<2048xf32, #tpu.memory_space<vmem>> -> memref<2048xf32, #tpu.memory_space<vmem>>
        %dma_wait3A_99 = tpu.memref_slice %arg8[%add3A_82] : memref<100096xf32, #tpu.memory_space<hbm>> -> memref<2048xf32, #tpu.memory_space<hbm>>
        %dma_wait3A_100 = tpu.memref_slice %arg8[%add3A_82] : memref<100096xf32, #tpu.memory_space<hbm>> -> memref<2048xf32, #tpu.memory_space<hbm>>
        %dma_wait3A_101 = arith.constant 0 : i32
        %dma_wait3A_102 = tpu.memref_slice %arg11[%dma_wait3A_101] : memref<2048xf32, #tpu.memory_space<vmem>> -> memref<2048xf32, #tpu.memory_space<vmem>>
        tpu.wait_dma2 semaphore(%run_scoped3A : memref<!tpu.dma_semaphore, #tpu.memory_space<semaphore_mem>>) src(%dma_wait3A_102 : memref<2048xf32, #tpu.memory_space<vmem>>) dst(%dma_wait3A_100 : memref<2048xf32, #tpu.memory_space<hbm>>)
        tpu.yield
      }) : () -> ()
      %add3A_83 = arith.constant 4096 : i32
      %add3A_84 = arith.addi %mul3A_14, %add3A_83 : i32
      "tpu.region"() ({
        %run_scoped3A = tpu.sem_alloc : memref<!tpu.dma_semaphore, #tpu.memory_space<semaphore_mem>>
        %dma_start3A_91 = arith.constant 0 : i32
        %dma_start3A_92 = tpu.memref_slice %arg11[%dma_start3A_91] : memref<2048xf32, #tpu.memory_space<vmem>> -> memref<2048xf32, #tpu.memory_space<vmem>>
        %dma_start3A_93 = tpu.memref_slice %arg30[%add3A_84] : memref<100096xf32, #tpu.memory_space<vmem_shared>> -> memref<2048xf32, #tpu.memory_space<vmem_shared>>
        %dma_start3A_94 = arith.constant 0 : i32
        %dma_start3A_95 = tpu.memref_slice %arg11[%dma_start3A_94] : memref<2048xf32, #tpu.memory_space<vmem>> -> memref<2048xf32, #tpu.memory_space<vmem>>
        %dma_start3A_96 = tpu.memref_slice %arg30[%add3A_84] : memref<100096xf32, #tpu.memory_space<vmem_shared>> -> memref<2048xf32, #tpu.memory_space<vmem_shared>>
        tpu.enqueue_dma source(%dma_start3A_96 : memref<2048xf32, #tpu.memory_space<vmem_shared>>) target(%dma_start3A_95 : memref<2048xf32, #tpu.memory_space<vmem>>) target_semaphore(%run_scoped3A : memref<!tpu.dma_semaphore, #tpu.memory_space<semaphore_mem>>)
        %dma_wait3A_97 = arith.constant 0 : i32
        %dma_wait3A_98 = tpu.memref_slice %arg11[%dma_wait3A_97] : memref<2048xf32, #tpu.memory_space<vmem>> -> memref<2048xf32, #tpu.memory_space<vmem>>
        %dma_wait3A_99 = tpu.memref_slice %arg30[%add3A_84] : memref<100096xf32, #tpu.memory_space<vmem_shared>> -> memref<2048xf32, #tpu.memory_space<vmem_shared>>
        %dma_wait3A_100 = arith.constant 0 : i32
        %dma_wait3A_101 = tpu.memref_slice %arg11[%dma_wait3A_100] : memref<2048xf32, #tpu.memory_space<vmem>> -> memref<2048xf32, #tpu.memory_space<vmem>>
        %dma_wait3A_102 = tpu.memref_slice %arg30[%add3A_84] : memref<100096xf32, #tpu.memory_space<vmem_shared>> -> memref<2048xf32, #tpu.memory_space<vmem_shared>>
        tpu.wait_dma2 semaphore(%run_scoped3A : memref<!tpu.dma_semaphore, #tpu.memory_space<semaphore_mem>>) src(%dma_wait3A_102 : memref<2048xf32, #tpu.memory_space<vmem_shared>>) dst(%dma_wait3A_101 : memref<2048xf32, #tpu.memory_space<vmem>>)
        tpu.yield
      }) : () -> ()
      %add3A_85 = arith.constant 4096 : i32
      %add3A_86 = arith.addi %mul3A_14, %add3A_85 : i32
      "tpu.region"() ({
        %run_scoped3A = tpu.sem_alloc : memref<!tpu.dma_semaphore, #tpu.memory_space<semaphore_mem>>
        %dma_start3A_91 = arith.constant 0 : i32
        %dma_start3A_92 = tpu.memref_slice %arg11[%dma_start3A_91] : memref<2048xf32, #tpu.memory_space<vmem>> -> memref<2048xf32, #tpu.memory_space<vmem>>
        %dma_start3A_93 = tpu.memref_slice %arg8[%add3A_86] : memref<100096xf32, #tpu.memory_space<hbm>> -> memref<2048xf32, #tpu.memory_space<hbm>>
        %dma_start3A_94 = tpu.memref_slice %arg8[%add3A_86] : memref<100096xf32, #tpu.memory_space<hbm>> -> memref<2048xf32, #tpu.memory_space<hbm>>
        %dma_start3A_95 = arith.constant 0 : i32
        %dma_start3A_96 = tpu.memref_slice %arg11[%dma_start3A_95] : memref<2048xf32, #tpu.memory_space<vmem>> -> memref<2048xf32, #tpu.memory_space<vmem>>
        tpu.enqueue_dma source(%dma_start3A_96 : memref<2048xf32, #tpu.memory_space<vmem>>) target(%dma_start3A_94 : memref<2048xf32, #tpu.memory_space<hbm>>) target_semaphore(%run_scoped3A : memref<!tpu.dma_semaphore, #tpu.memory_space<semaphore_mem>>)
        %dma_wait3A_97 = arith.constant 0 : i32
        %dma_wait3A_98 = tpu.memref_slice %arg11[%dma_wait3A_97] : memref<2048xf32, #tpu.memory_space<vmem>> -> memref<2048xf32, #tpu.memory_space<vmem>>
        %dma_wait3A_99 = tpu.memref_slice %arg8[%add3A_86] : memref<100096xf32, #tpu.memory_space<hbm>> -> memref<2048xf32, #tpu.memory_space<hbm>>
        %dma_wait3A_100 = tpu.memref_slice %arg8[%add3A_86] : memref<100096xf32, #tpu.memory_space<hbm>> -> memref<2048xf32, #tpu.memory_space<hbm>>
        %dma_wait3A_101 = arith.constant 0 : i32
        %dma_wait3A_102 = tpu.memref_slice %arg11[%dma_wait3A_101] : memref<2048xf32, #tpu.memory_space<vmem>> -> memref<2048xf32, #tpu.memory_space<vmem>>
        tpu.wait_dma2 semaphore(%run_scoped3A : memref<!tpu.dma_semaphore, #tpu.memory_space<semaphore_mem>>) src(%dma_wait3A_102 : memref<2048xf32, #tpu.memory_space<vmem>>) dst(%dma_wait3A_100 : memref<2048xf32, #tpu.memory_space<hbm>>)
        tpu.yield
      }) : () -> ()
      %add3A_87 = arith.constant 6144 : i32
      %add3A_88 = arith.addi %mul3A_14, %add3A_87 : i32
      "tpu.region"() ({
        %run_scoped3A = tpu.sem_alloc : memref<!tpu.dma_semaphore, #tpu.memory_space<semaphore_mem>>
        %dma_start3A_91 = arith.constant 0 : i32
        %dma_start3A_92 = tpu.memref_slice %arg11[%dma_start3A_91] : memref<2048xf32, #tpu.memory_space<vmem>> -> memref<112xf32, #tpu.memory_space<vmem>>
        %dma_start3A_93 = tpu.memref_slice %arg30[%add3A_88] : memref<100096xf32, #tpu.memory_space<vmem_shared>> -> memref<112xf32, #tpu.memory_space<vmem_shared>>
        %dma_start3A_94 = arith.constant 0 : i32
        %dma_start3A_95 = tpu.memref_slice %arg11[%dma_start3A_94] : memref<2048xf32, #tpu.memory_space<vmem>> -> memref<112xf32, #tpu.memory_space<vmem>>
        %dma_start3A_96 = tpu.memref_slice %arg30[%add3A_88] : memref<100096xf32, #tpu.memory_space<vmem_shared>> -> memref<112xf32, #tpu.memory_space<vmem_shared>>
        tpu.enqueue_dma source(%dma_start3A_96 : memref<112xf32, #tpu.memory_space<vmem_shared>>) target(%dma_start3A_95 : memref<112xf32, #tpu.memory_space<vmem>>) target_semaphore(%run_scoped3A : memref<!tpu.dma_semaphore, #tpu.memory_space<semaphore_mem>>)
        %dma_wait3A_97 = arith.constant 0 : i32
        %dma_wait3A_98 = tpu.memref_slice %arg11[%dma_wait3A_97] : memref<2048xf32, #tpu.memory_space<vmem>> -> memref<112xf32, #tpu.memory_space<vmem>>
        %dma_wait3A_99 = tpu.memref_slice %arg30[%add3A_88] : memref<100096xf32, #tpu.memory_space<vmem_shared>> -> memref<112xf32, #tpu.memory_space<vmem_shared>>
        %dma_wait3A_100 = arith.constant 0 : i32
        %dma_wait3A_101 = tpu.memref_slice %arg11[%dma_wait3A_100] : memref<2048xf32, #tpu.memory_space<vmem>> -> memref<112xf32, #tpu.memory_space<vmem>>
        %dma_wait3A_102 = tpu.memref_slice %arg30[%add3A_88] : memref<100096xf32, #tpu.memory_space<vmem_shared>> -> memref<112xf32, #tpu.memory_space<vmem_shared>>
        tpu.wait_dma2 semaphore(%run_scoped3A : memref<!tpu.dma_semaphore, #tpu.memory_space<semaphore_mem>>) src(%dma_wait3A_102 : memref<112xf32, #tpu.memory_space<vmem_shared>>) dst(%dma_wait3A_101 : memref<112xf32, #tpu.memory_space<vmem>>)
        tpu.yield
      }) : () -> ()
      %add3A_89 = arith.constant 6144 : i32
      %add3A_90 = arith.addi %mul3A_14, %add3A_89 : i32
      "tpu.region"() ({
        %run_scoped3A = tpu.sem_alloc : memref<!tpu.dma_semaphore, #tpu.memory_space<semaphore_mem>>
        %dma_start3A_91 = arith.constant 0 : i32
        %dma_start3A_92 = tpu.memref_slice %arg11[%dma_start3A_91] : memref<2048xf32, #tpu.memory_space<vmem>> -> memref<112xf32, #tpu.memory_space<vmem>>
        %dma_start3A_93 = tpu.memref_slice %arg8[%add3A_90] : memref<100096xf32, #tpu.memory_space<hbm>> -> memref<112xf32, #tpu.memory_space<hbm>>
        %dma_start3A_94 = tpu.memref_slice %arg8[%add3A_90] : memref<100096xf32, #tpu.memory_space<hbm>> -> memref<112xf32, #tpu.memory_space<hbm>>
        %dma_start3A_95 = arith.constant 0 : i32
        %dma_start3A_96 = tpu.memref_slice %arg11[%dma_start3A_95] : memref<2048xf32, #tpu.memory_space<vmem>> -> memref<112xf32, #tpu.memory_space<vmem>>
        tpu.enqueue_dma source(%dma_start3A_96 : memref<112xf32, #tpu.memory_space<vmem>>) target(%dma_start3A_94 : memref<112xf32, #tpu.memory_space<hbm>>) target_semaphore(%run_scoped3A : memref<!tpu.dma_semaphore, #tpu.memory_space<semaphore_mem>>)
        %dma_wait3A_97 = arith.constant 0 : i32
        %dma_wait3A_98 = tpu.memref_slice %arg11[%dma_wait3A_97] : memref<2048xf32, #tpu.memory_space<vmem>> -> memref<112xf32, #tpu.memory_space<vmem>>
        %dma_wait3A_99 = tpu.memref_slice %arg8[%add3A_90] : memref<100096xf32, #tpu.memory_space<hbm>> -> memref<112xf32, #tpu.memory_space<hbm>>
        %dma_wait3A_100 = tpu.memref_slice %arg8[%add3A_90] : memref<100096xf32, #tpu.memory_space<hbm>> -> memref<112xf32, #tpu.memory_space<hbm>>
        %dma_wait3A_101 = arith.constant 0 : i32
        %dma_wait3A_102 = tpu.memref_slice %arg11[%dma_wait3A_101] : memref<2048xf32, #tpu.memory_space<vmem>> -> memref<112xf32, #tpu.memory_space<vmem>>
        tpu.wait_dma2 semaphore(%run_scoped3A : memref<!tpu.dma_semaphore, #tpu.memory_space<semaphore_mem>>) src(%dma_wait3A_102 : memref<112xf32, #tpu.memory_space<vmem>>) dst(%dma_wait3A_100 : memref<112xf32, #tpu.memory_space<hbm>>)
        tpu.yield
      }) : () -> ()
    } else {
    }
    return
  }
}

module attributes {stable_mosaic.version = 14 : i64} {
  func.func @_tc_combine(%arg0: memref<4xf32, #tpu.memory_space<smem>>, %arg1: memref<782x128xf32, #tpu.memory_space<vmem>>, %arg2: memref<782x128xf32, #tpu.memory_space<vmem>>, %arg3: memref<782x128xf32, #tpu.memory_space<vmem>>, %arg4: memref<782x128xf32, #tpu.memory_space<vmem>>, %arg5: memref<782x128xf32, #tpu.memory_space<vmem>>, %arg6: memref<782x128xf32, #tpu.memory_space<vmem>>) attributes {dimension_semantics = [], scalar_prefetch = 0 : i64, scratch_operands = 0 : i64, tpu.core_type = #tpu.core_type<tc>} {
    %get3A = arith.constant 0 : index
    %get3A_0 = memref.load %arg0[%get3A] : memref<4xf32, #tpu.memory_space<smem>>
    %get3A_1 = arith.constant 1 : index
    %get3A_2 = memref.load %arg0[%get3A_1] : memref<4xf32, #tpu.memory_space<smem>>
    %get3A_3 = arith.constant 2 : index
    %get3A_4 = memref.load %arg0[%get3A_3] : memref<4xf32, #tpu.memory_space<smem>>
    %get3A_5 = arith.constant 3 : index
    %get3A_6 = memref.load %arg0[%get3A_5] : memref<4xf32, #tpu.memory_space<smem>>
    %get3A_7 = arith.constant 0 : index
    %get3A_8 = arith.constant 0 : index
    %get3A_9 = vector.load %arg1[%get3A_7, %get3A_8] : memref<782x128xf32, #tpu.memory_space<vmem>>, vector<782x128xf32>
    %get3A_10 = arith.constant 0 : index
    %get3A_11 = arith.constant 0 : index
    %get3A_12 = vector.load %arg3[%get3A_10, %get3A_11] : memref<782x128xf32, #tpu.memory_space<vmem>>, vector<782x128xf32>
    %mul3A = vector.broadcast %get3A_0 : f32 to vector<782x128xf32>
    %mul3A_13 = arith.mulf %mul3A, %get3A_12 : vector<782x128xf32>
    %add3A = arith.addf %get3A_9, %mul3A_13 : vector<782x128xf32>
    %get3A_14 = arith.constant 0 : index
    %get3A_15 = arith.constant 0 : index
    %get3A_16 = vector.load %arg4[%get3A_14, %get3A_15] : memref<782x128xf32, #tpu.memory_space<vmem>>, vector<782x128xf32>
    %mul3A_17 = vector.broadcast %get3A_4 : f32 to vector<782x128xf32>
    %mul3A_18 = arith.mulf %mul3A_17, %get3A_16 : vector<782x128xf32>
    %add3A_19 = arith.addf %add3A, %mul3A_18 : vector<782x128xf32>
    %swap3A = arith.constant 0 : index
    %swap3A_20 = arith.constant 0 : index
    %swap3A_21 = vector.load %arg5[%swap3A, %swap3A_20] : memref<782x128xf32, #tpu.memory_space<vmem>>, vector<782x128xf32>
    tpu.vector_store %arg5[%swap3A, %swap3A_20], %add3A_19 {strides = array<i32>} : memref<782x128xf32, #tpu.memory_space<vmem>>, vector<782x128xf32>,
    %get3A_22 = arith.constant 0 : index
    %get3A_23 = arith.constant 0 : index
    %get3A_24 = vector.load %arg2[%get3A_22, %get3A_23] : memref<782x128xf32, #tpu.memory_space<vmem>>, vector<782x128xf32>
    %get3A_25 = arith.constant 0 : index
    %get3A_26 = arith.constant 0 : index
    %get3A_27 = vector.load %arg3[%get3A_25, %get3A_26] : memref<782x128xf32, #tpu.memory_space<vmem>>, vector<782x128xf32>
    %mul3A_28 = vector.broadcast %get3A_2 : f32 to vector<782x128xf32>
    %mul3A_29 = arith.mulf %mul3A_28, %get3A_27 : vector<782x128xf32>
    %add3A_30 = arith.addf %get3A_24, %mul3A_29 : vector<782x128xf32>
    %get3A_31 = arith.constant 0 : index
    %get3A_32 = arith.constant 0 : index
    %get3A_33 = vector.load %arg4[%get3A_31, %get3A_32] : memref<782x128xf32, #tpu.memory_space<vmem>>, vector<782x128xf32>
    %mul3A_34 = vector.broadcast %get3A_6 : f32 to vector<782x128xf32>
    %mul3A_35 = arith.mulf %mul3A_34, %get3A_33 : vector<782x128xf32>
    %add3A_36 = arith.addf %add3A_30, %mul3A_35 : vector<782x128xf32>
    %swap3A_37 = arith.constant 0 : index
    %swap3A_38 = arith.constant 0 : index
    %swap3A_39 = vector.load %arg6[%swap3A_37, %swap3A_38] : memref<782x128xf32, #tpu.memory_space<vmem>>, vector<782x128xf32>
    tpu.vector_store %arg6[%swap3A_37, %swap3A_38], %add3A_36 {strides = array<i32>} : memref<782x128xf32, #tpu.memory_space<vmem>>, vector<782x128xf32>,
    return
  }
}

</mosaic_0001>

<sc_bundles>
// kernel: sc_gather_segsum.3.cloned.1.call-start
scs
__scs_entry_jumppad:
0x0: {  	(pc) =	sbr.rel $0x88, $3  }
0x1: {  	(tag) =	ssettag $0x0;
	lr =	simm.s32 $0x1  }
0x2: {  	[smem:$0x3F9C] =	sst lr;
	_ =	strace $0xD0000000  }
0x3: {  	_ = 	snop  }
0x4: {  	_ = 	snop  }
0x5: {  	_ = 	snop  }
0x6: {  	_ = 	snop  }
0x7: {  	_ = 	snop  }
__scs_overlays_trampoline_lowered:
0x8: {  	[smem:$0x3FAB] =	sst s0  }
0x9: {  	[smem:$0x3FAC] =	sst s1  }
0xa: {  	[smem:$0x3FAD] =	sst s2  }
0xb: {  	[smem:$0x3FAE] =	sst s3  }
0xc: {  	[smem:$0x3FAF] =	sst s4  }
0xd: {  	[smem:$0x3FB0] =	sst s5  }
0xe: {  	[smem:$0x3FB1] =	sst s6  }
0xf: {  	[smem:$0x3FB2] =	sst s7  }
0x10: {  	[smem:$0x3FB3] =	sst s8  }
0x11: {  	[smem:$0x3FB4] =	sst s9;
	s0 =	simm.s32 @!p0 $0x0  }
0x12: {  	s1 =	sld [smem:$0x3F9A];
	s0 =	simm.s32 @p0 $0x1  }
0x13: {  	[smem:$0x3FB5] =	sst s0;
	s0 =	simm.s32 @!p1 $0x0  }
0x14: {  	s2 =	sld [smem:$0x3F99];
	s0 =	simm.s32 @p1 $0x1  }
0x15: {  	[smem:$0x3FB6] =	sst s0;
	s0 =	simm.s32 @!p2 $0x0  }
0x16: {  	s3 =	sld [smem:$0x3FDB];
	s0 =	simm.s32 @p2 $0x1  }
0x17: {  	s4 =	simm.s32 $0x1BF5;
	[smem:$0x3FB8] =	sst s0  }
0x18: {  	s0 =	sld [smem:$0x3F9B];
	_ =	swait.ge [sflag:s4], $0x0  }
0x19: {  	s7 =	sld [smem:$0x3F9C]  }
0x1a: {  	s8 =	sadd.s32 $0xFFFFE003, lr  }
0x1b: {  	s9 =	sadd.s32 $0xFFFFFEF7, lr;
	s5 =	simm.s32 $0xFFFFFFFF;
	p2 =	slt.u32 s8, $0xFFFFF086  }
0x1c: {  	p1 =	slt.u32 s9, $0xF7A;
	s5 =	simm.s32 @!p2 $0x0  }
0x1d: {  	s5 =	simm.s32 @p1 $0x1;
	p0 =	seq.s32 s7, s2  }
0x1e: {  	s7 =	smul.u32 @!p0 $0xF7A, s2;
	p2 =	seq.s32 @!p0 s5, $0x0  }
0x1f: {  	s9 =	smul.u32 $0xF7A, s1;
	s8 =	simm.s32 @!p0 $0x1BF5;
	p2 =	por !p2, p0  }
0x20: {  	[sflag:s8] =	ssyncset.s32 @!p0 $0xFFFFF086;
	s6 =	sadd.s32 @!p0 s3, s7;
	s7 =	simm.s32 @!p0 $0x108  }
0x21: {  	s3 =	sadd.s32 s3, s9;
	s6 =	sadd.s32 @!p0 $0x88, s6;
	s7 =	simm.s32 @p2 $0x1082  }
0x22: {  	[simem:s7], [sflag:s8] =	dma.local @!p0 [hbm:s6], $0xF7A  }
0x23: {  	s9 =	sor.u32 $0xD0000000, s2;
	s6 =	simm.s32 $0x108;
	_ =	swait.ge @!p0 [sflag:s8], $0x0  }
0x24: {  	s3 =	sadd.s32 $0x88, s3;
	s6 =	simm.s32 @!p1 $0x1082;
	[sflag:s4] =	ssyncset.s32 $0xFFFFF086  }
0x25: {  	[simem:s6], [sflag:s4] =	dma.local [hbm:s3], $0xF7A  }
0x26: {  	[smem:$0x3F9C] =	sst s1;
	(tag) =	ssettag s2;
	_ =	strace s9  }
0x27: {  	s1 =	sld [smem:$0x3FAC]  }
0x28: {  	s2 =	sld [smem:$0x3FAD]  }
0x29: {  	s4 =	sld [smem:$0x3FAF]  }
0x2a: {  	p0 =	seq.s32 s5, $0x0;
	s5 =	sld [smem:$0x3FB0]  }
0x2b: {  	s6 =	sld [smem:$0x3FB1]  }
0x2c: {  	s7 =	sld [smem:$0x3FB2]  }
0x2d: {  	s3 =	simm.s32 $0x108;
	s8 =	sld [smem:$0x3FB3]  }
0x2e: {  	s3 =	simm.s32 @!p0 $0x1082;
	s9 =	sld [smem:$0x3FB4]  }
0x2f: {  	lr =	sadd.s32 s0, s3;
	s0 =	sld [smem:$0x3FAB]  }
0x30: {  	s3 =	sld [smem:$0x3FAE]  }
0x31: {  	[smem:$0x3FB7] =	sst s10  }
0x32: {  	s10 =	sld [smem:$0x3FB5];
	_ =	sdelay $0x3  }
0x33: {  	p0 =	seq.s32 s10, $0x1;
	s10 =	sld [smem:$0x3FB7];
	_ =	sdelay $0x3  }
0x34: {  	[smem:$0x3FB7] =	sst s10  }
0x35: {  	s10 =	sld [smem:$0x3FB6];
	_ =	sdelay $0x3  }
0x36: {  	p1 =	seq.s32 s10, $0x1;
	s10 =	sld [smem:$0x3FB7];
	_ =	sdelay $0x3  }
0x37: {  	[smem:$0x3FB7] =	sst s10  }
0x38: {  	s10 =	sld [smem:$0x3FB8]  }
0x39: {  	_ = 	snop;
	(pc) =	sbr.ind lr, $3  }
0x3a: {  	_ = 	snop  }
0x3b: {  	_ = 	snop  }
0x3c: {  	p2 =	seq.s32 s10, $0x1;
	s10 =	sld [smem:$0x3FB7]  }
0x3d: {  	_ =	shalt  }
0x3e: {  	_ =	shalt  }
0x3f: {  	_ =	shalt  }
0x40: {  	_ =	shalt  }
0x41: {  	_ =	shalt  }
0x42: {  	_ =	shalt  }
0x43: {  	_ =	shalt  }
0x44: {  	_ =	shalt  }
0x45: {  	_ =	shalt  }
0x46: {  	_ =	shalt  }
0x47: {  	_ =	shalt  }
0x48: {  	_ =	shalt  }
0x49: {  	_ =	shalt  }
0x4a: {  	_ =	shalt  }
0x4b: {  	_ =	shalt  }
0x4c: {  	_ =	shalt  }
0x4d: {  	_ =	shalt  }
0x4e: {  	_ =	shalt  }
0x4f: {  	_ =	shalt  }
0x50: {  	_ =	shalt  }
0x51: {  	_ =	shalt  }
0x52: {  	_ =	shalt  }
0x53: {  	_ =	shalt  }
0x54: {  	_ =	shalt  }
0x55: {  	_ =	shalt  }
0x56: {  	_ =	shalt  }
0x57: {  	_ =	shalt  }
0x58: {  	_ =	shalt  }
0x59: {  	_ =	shalt  }
0x5a: {  	_ =	shalt  }
0x5b: {  	_ =	shalt  }
0x5c: {  	_ =	shalt  }
0x5d: {  	_ =	shalt  }
0x5e: {  	_ =	shalt  }
0x5f: {  	_ =	shalt  }
0x60: {  	_ =	shalt  }
0x61: {  	_ =	shalt  }
0x62: {  	_ =	shalt  }
0x63: {  	_ =	shalt  }
0x64: {  	_ =	shalt  }
0x65: {  	_ =	shalt  }
0x66: {  	_ =	shalt  }
0x67: {  	_ =	shalt  }
0x68: {  	_ =	shalt  }
0x69: {  	_ =	shalt  }
0x6a: {  	_ =	shalt  }
0x6b: {  	_ =	shalt  }
0x6c: {  	_ =	shalt  }
0x6d: {  	_ =	shalt  }
0x6e: {  	_ =	shalt  }
0x6f: {  	_ =	shalt  }
0x70: {  	_ =	shalt  }
0x71: {  	_ =	shalt  }
0x72: {  	_ =	shalt  }
0x73: {  	_ =	shalt  }
0x74: {  	_ =	shalt  }
0x75: {  	_ =	shalt  }
0x76: {  	_ =	shalt  }
0x77: {  	_ =	shalt  }
0x78: {  	_ =	shalt  }
0x79: {  	_ =	shalt  }
0x7a: {  	_ =	shalt  }
0x7b: {  	_ =	shalt  }
0x7c: {  	_ =	shalt  }
0x7d: {  	_ =	shalt  }
0x7e: {  	_ =	shalt  }
0x7f: {  	_ =	shalt  }
0x80: {  	_ =	shalt  }
0x81: {  	_ =	shalt  }
0x82: {  	_ =	shalt  }
0x83: {  	_ =	shalt  }
0x84: {  	_ =	shalt  }
0x85: {  	_ =	shalt  }
0x86: {  	_ =	shalt  }
0x87: {  	_ =	shalt  }
.Lfunc_end0:
.L_simem_size_0:
called_computation_lowered:
.L_overlay_start_0:
0x88: {  	s2 =	sld [smem:$0x3FD9]  }
0x89: {  	s3 =	sld [smem:$0x3FFE];
	_ =	sdelay $0x1  }
0x8a: {  	s1 =	srdreg.scid  }
0x8b: {  	s0 =	sand.u32 $0x1, s1  }
0x8c: {  	s17 =	sshll.u32 s0, $0xA;
	s2 =	sadd.s32 s3, s2  }
0x8d: {  	s2 =	sadd.s32 s2, s17  }
0x8e: {  	[smem:$0x3FC3] =	sst s2  }
0x8f: {  	_ = 	snop  }
0x90: {  	s2 =	sld [smem:$0x3FC8]  }
0x91: {  	s18 =	sld [smem:$0x3FC7]  }
0x92: {  	s4 =	sld [smem:$0x3FC6]  }
0x93: {  	s5 =	sld [smem:$0x3FD0];
	(tm) =	ssettm $0x1  }
0x94: {  	s6 =	sld [smem:$0x3FFB];
	_ =	sdelay $0x3  }
0x95: {  	_ =	strace s6  }
0x96: {  	s6 =	sld [smem:$0x3FFC];
	_ =	sdelay $0x3  }
0x97: {  	_ =	strace s6  }
0x98: {  	s6 =	sld [smem:$0x3FFD];
	_ =	sdelay $0x3  }
0x99: {  	_ =	strace s6  }
0x9a: {  	_ =	strace $0x8FFFFFFF  }
0x9b: {  	s19 =	sld [smem:$0x3FDB];
	_ =	sdelay $0x1  }
0x9c: {  	s7 =	simm.s32 $_scs_section_size  }
0x9d: {  	s8 =	simm.s32 $_size__tile_overlayer_lowered;
	s9 =	simm.s32 $_tile_overlayer_lowered  }
0x9e: {  	s22 =	simm.s32 $0x1BFF;
	s21 =	sshll.u32 s9, $0x1;
	s6 =	sadd.s32 s7, s19  }
0x9f: {  	s10 =	simm.s32 $0x0;
	s20 =	sshll.u32 s8, $0x1;
	s8 =	sadd.s32 s21, s6  }
0xa0: {  	[timem:s10], [sflag:s22] =	dma.local [hbm:s8], s20  }
0xa1: {  	_ =	swait.ge [sflag:s22], s20  }
0xa2: {  	s7 =	ssub.s32 $0x0, s20;
	[sflag:s22] =	ssyncset.done $0x0  }
0xa3: {  	[sflag:s22] =	ssyncadd.s32 s7;
	_ =	sdelay $0x1  }
0xa4: {  	s23 =	simm.s32 $0x1B8B  }
0xa5: {  	_ =	swait.ge [sflag:s23], $0x1  }
0xa6: {  	[sflag:s23] =	ssyncset.done $0x0  }
0xa7: {  	s25 =	simm.s32 $0x1B8E;
	s24 =	sld [smem:$0x3FFE];
	[sflag:s23] =	ssyncadd.s32 $0xFFFFFFFF  }
0xa8: {  	s26 =	simm.s32 $execute0_lowered;
	[smem:$0x3FD2] =	sst s25  }
0xa9: {  	s8 =	sshll.u32 s26, $0x1;
	_ =	strace $0x80000046;
	[dreg:$0x1] =	wrdreg $0xFFFFFFFF  }
0xaa: {  	s28 =	simm.s32 $_size_execute0_lowered;
	s6 =	sadd.s32 s6, s8;
	[dreg:$0x0] =	wrdreg $0x0  }
0xab: {  	s8 =	sshll.u32 s28, $0x1;
	[dreg:$0x2] =	wrdreg s6  }
0xac: {  	[dreg:$0x3] =	wrdreg s8  }
0xad: {  	[dreg:$0x4] =	wrdreg $0xC0  }
0xae: {  	_ =	task [dreg:s10], $0x5FFFF  }
0xaf: {  	[dreg:$0x1] =	wrdreg $0xFFFFFFFF  }
0xb0: {  	[dreg:$0x0] =	wrdreg $0x60  }
0xb1: {  	[dreg:$0x2] =	wrdreg s24  }
0xb2: {  	[dreg:$0x3] =	wrdreg s5  }
0xb3: {  	[dreg:$0x4] =	wrdreg s18  }
0xb4: {  	[dreg:$0x5] =	wrdreg s2  }
0xb5: {  	[dreg:$0x6] =	wrdreg s4  }
0xb6: {  	[dreg:$0x7] =	wrdreg $0x1E7000  }
0xb7: {  	[dreg:$0x8] =	wrdreg $0x9  }
0xb8: {  	_ =	task.clear_ibuf [dreg:s10], $0x9FFFF;
	_ =	strace $0x90000046  }
0xb9: {  	s29 =	simm.s32 $0x9;
	_ =	strace $0x80000048  }
0xba: {  	_ =	swait.ge [sflag:s29], $0x1  }
0xbb: {  	[sflag:s29] =	ssyncadd.s32 $0xFFFFFFFF  }
0xbc: {  	_ =	strace $0x90000048  }
0xbd: {  	_ =	sfence  }
0xbe: {  	s30 =	sld [smem:$0x0];
	_ =	sdelay $0x2  }
0xbf: {  	s31 =	sshll.u32 s1, $0xD;
	s1 =	sshrl.u32 s1, $0x2  }
0xc0: {  	s3 =	sand.u32 $0x4000, s31;
	s1 =	sadd.s32 s1, s30  }
0xc1: {  	s0 =	sor.u32 s3, s0;
	s1 =	sshll.u32 s1, $0x11  }
0xc2: {  	s0 =	sor.u32 s1, s0  }
0xc3: {  	s0 =	sadd.s32 $0x8F2B, s0  }
0xc4: {  	[sflag:s0] =	ssyncadd.remote.s32 $0x1  }
0xc5: {  	_ =	sfence.sel $0xFFFF  }
0xc6: {  	[dreg:$0x0] =	wrdreg $0xFFFFFFFF;
	(pc) =	sbr.abs _section_cstart, $3  }
0xc7: {  	[dreg:$0x1] =	wrdreg $0xFFFFFFFF  }
0xc8: {  	_ =	task.clear_ibuf [dreg:s10], $0x2FFFF;
	_ =	strace $0x9FFFFFFF  }
0xc9: {  	(tm) =	ssettm $0x7FFFFFFF  }
tec
execute0_lowered:
.L_overlay_start_1:
0x0: {  	(tag) =	ssettag $0x1  }
0x1: {  	s0 =	rddreg [dreg:$0x0]  }
0x2: {  	s17 =	rddreg [dreg:$0x1]  }
0x3: {  	s2 =	rddreg [dreg:$0x2]  }
0x4: {  	s3 =	rddreg [dreg:$0x3]  }
0x5: {  	s4 =	rddreg [dreg:$0x4]  }
0x6: {  	s5 =	rddreg [dreg:$0x5]  }
0x7: {  	s6 =	simm.s32 $0x0;
	s1 =	srdreg.scid;
	s18 =	stileid.u32  }
0x8: {  	s30 =	simm.s32 $0x18F00;
	s31 =	simm.s32 $0x9;
	[smem:$0x7FF] =	sst s6  }
0x9: {  	s1 =	sand.u32 $0x1, s1;
	s7 =	sadd.s32 $0xA00, s0;
	s10 =	sadd.s32 $0x3C00, s0  }
0xa: {  	s11 =	smul.u32 $0x1870, s18;
	s0 =	sadd.s32 $0x6E00, s0;
	s8 =	ssub.s32 $0x2, s1  }
0xb: {  	_ =	strace $0x80000047;
	p0 =	seq.s32 s1, $0x0;
	s9 =	sshrl.u32 s8, $0x1  }
0xc: {  	s22 =	sadd.s32 s11, s5;
	s19 =	sadd.s32 $0x800, s11;
	s13 =	sadd.s32 $0x1000, s11  }
0xd: {  	s14 =	sadd.s32 $0x1800, s11;
	s17 =	smov.u32 @p0 s7;
	s0 =	smov.u32 @p0 s10  }
0xe: {  	p0 =	sgt.u32 s18, $0x4;
	s8 =	ssub.s32 s8, s9;
	s9 =	smul.u32 $0x61800, s18  }
0xf: {  	s12 =	sadd.s32 s19, s5;
	s20 =	sadd.s32 s13, s5;
	[dreg:$0x7] =	wrdreg s17  }
0x10: {  	s21 =	sadd.s32 s14, s5;
	s17 =	sshrl.u32 s11, $0x3;
	[dreg:$0x8] =	wrdreg s12  }
0x11: {  	s1 =	sshrl.u32 s19, $0x3;
	s19 =	sshrl.u32 s13, $0x3;
	[dreg:$0x9] =	wrdreg s20  }
0x12: {  	s13 =	simm.s32 $0x1BF00;
	[dreg:$0xa] =	wrdreg s21;
	s20 =	sshrl.u32 s14, $0x3  }
0x13: {  	s10 =	sadd.s32 s0, s17;
	s1 =	sadd.s32 s0, s1;
	s21 =	sadd.s32 s0, s19  }
0x14: {  	s14 =	simm.s32 $0x1C700;
	s17 =	simm.s32 $0x3;
	[dreg:$0x11] =	wrdreg s10  }
0x15: {  	s19 =	simm.s32 $0x1DF00;
	s15 =	sshrl.u32 s9, $0x3;
	[dreg:$0x12] =	wrdreg s1  }
0x16: {  	[dreg:$0x13] =	wrdreg s21;
	s0 =	sadd.s32 s0, s20;
	s28 =	sadd.s32 $0x2000, s9  }
0x17: {  	s29 =	sadd.s32 $0x2800, s9;
	s23 =	sadd.s32 s2, s15;
	[dreg:$0x14] =	wrdreg s0  }
0x18: {  	s20 =	simm.s32 $0x1D700;
	s24 =	sadd.s32 s3, s15;
	[dreg:$0xb] =	wrdreg s23  }
0x19: {  	s16 =	sadd.s32 $0x100, s15;
	s25 =	sadd.s32 s4, s15;
	[dreg:$0xc] =	wrdreg s24  }
0x1a: {  	s21 =	simm.s32 $0x0;
	[dreg:$0xd] =	wrdreg s25;
	s26 =	sadd.s32 s2, s16  }
0x1b: {  	s15 =	sshll.u32 s18, $0x8;
	s12 =	sadd.s32 s3, s16;
	[dreg:$0xe] =	wrdreg s26  }
0x1c: {  	s16 =	sadd.s32 s4, s16;
	s7 =	sor.u32 $0xC3000, s15;
	[dreg:$0xf] =	wrdreg s12  }
0x1d: {  	s0 =	simm.s32 $0x1;
	[dreg:$0x10] =	wrdreg s16;
	s23 =	sadd.s32 s2, s7  }
.Ltmp0:
0x1e: {  	s24 =	sadd.s32 s3, s7;
	[dreg:$0x15] =	wrdreg s23;
	(pc) =	sbr.rel .LBB2_1-.Ltmp0, $4  }
0x1f: {  	s18 =	simm.s32 $0x4;
	s25 =	sadd.s32 s4, s7;
	[dreg:$0x16] =	wrdreg s24  }
0x20: {  	s15 =	simm.s32 $0x800;
	s26 =	smax.u32 s8, $0x1;
	[dreg:$0x17] =	wrdreg s25  }
0x21: {  	s7 =	simm.s32 $0x1B700;
	s16 =	simm.s32 $0x2;
	[dreg:$0x18] =	wrdreg s26  }
0x22: {  	v0 =	vimm.f32 $0.0e+00;
	s23 =	simm.s32 $0x19700;
	s24 =	simm.s32 $0x1A700;
	s25 =	simm.s32 $0x1AF00  }
.LBB2_19:
0x23: {  	[bflag:$0x0] =	sbarrier.arrive $0xFFFF  }
0x24: {  	[tilespmem:s30], [sflag:$0x9] =	stream.linear.gather [spmem:s22], $0x800, $0x38;
	[tilespmem:$0x1FF70] =	vst v63  }
0x25: {  	_ =	swait.ge [sflag:s31], $0x800  }
0x26: {  	[sflag:s31] =	ssyncset.done $0x0  }
0x27: {  	s1 =	rddreg [dreg:$0x11];
	[sflag:s31] =	ssyncadd.s32 $0xFFFFF800  }
0x28: {  	[hbm4b:s1+s6] =	stream.linear.scatter [tilespmem:s30], [sflag:$0x9], $0x800, $0x38;
	[tilespmem:$0x1FF70] =	vst v63  }
0x29: {  	_ =	swait.ge [sflag:s31], $0x800  }
0x2a: {  	[sflag:s31] =	ssyncset.done $0x0  }
0x2b: {  	s12 =	rddreg [dreg:$0x8];
	[sflag:s31] =	ssyncadd.s32 $0xFFFFF800  }
0x2c: {  	[tilespmem:s30], [sflag:$0x9] =	stream.linear.gather [spmem:s12], $0x800, $0x38;
	[tilespmem:$0x1FF70] =	vst v63  }
0x2d: {  	_ =	swait.ge [sflag:s31], $0x800  }
0x2e: {  	[sflag:s31] =	ssyncset.done $0x0  }
0x2f: {  	s26 =	rddreg [dreg:$0x12];
	[sflag:s31] =	ssyncadd.s32 $0xFFFFF800  }
0x30: {  	[hbm4b:s26+s6] =	stream.linear.scatter [tilespmem:s30], [sflag:$0x9], $0x800, $0x38;
	[tilespmem:$0x1FF70] =	vst v63  }
0x31: {  	_ =	swait.ge [sflag:s31], $0x800  }
0x32: {  	[sflag:s31] =	ssyncset.done $0x0  }
0x33: {  	s8 =	rddreg [dreg:$0x9];
	[sflag:s31] =	ssyncadd.s32 $0xFFFFF800  }
0x34: {  	[tilespmem:s30], [sflag:$0x9] =	stream.linear.gather [spmem:s8], $0x800, $0x38;
	[tilespmem:$0x1FF70] =	vst v63  }
0x35: {  	_ =	swait.ge [sflag:s31], $0x800  }
0x36: {  	[sflag:s31] =	ssyncset.done $0x0  }
0x37: {  	s10 =	rddreg [dreg:$0x13];
	[sflag:s31] =	ssyncadd.s32 $0xFFFFF800  }
0x38: {  	[hbm4b:s10+s6] =	stream.linear.scatter [tilespmem:s30], [sflag:$0x9], $0x800, $0x38;
	[tilespmem:$0x1FF70] =	vst v63  }
0x39: {  	_ =	swait.ge [sflag:s31], $0x800  }
0x3a: {  	[sflag:s31] =	ssyncset.done $0x0  }
0x3b: {  	s11 =	rddreg [dreg:$0xa];
	[sflag:s31] =	ssyncadd.s32 $0xFFFFF800  }
0x3c: {  	[tilespmem:s30], [sflag:$0x9] =	stream.linear.gather [spmem:s11], $0x70, $0x38;
	[tilespmem:$0x1FF70] =	vst v63  }
0x3d: {  	_ =	swait.ge [sflag:s31], $0x70  }
0x3e: {  	[sflag:s31] =	ssyncset.done $0x0  }
0x3f: {  	s12 =	rddreg [dreg:$0x14];
	[sflag:s31] =	ssyncadd.s32 $0xFFFFFF90  }
0x40: {  	[hbm4b:s12+s6] =	stream.linear.scatter [tilespmem:s30], [sflag:$0x9], $0x70, $0x38;
	[tilespmem:$0x1FF70] =	vst v63  }
0x41: {  	_ =	swait.ge [sflag:s31], $0x70  }
0x42: {  	s21 =	sadd.s32 $0x1, s21;
	s26 =	rddreg [dreg:$0x18]  }
0x43: {  	p1 =	sne.s32 s21, s26  }
.Ltmp1:
0x44: {  	_ = 	snop;
	(pc) =	sbr.rel @!p1 .LBB2_20-.Ltmp1, $3  }
0x45: {  	_ =	sdelay $0x1  }
0x46: {  	[sflag:s31] =	ssyncset.done $0x0  }
0x47: {  	[sflag:s31] =	ssyncadd.s32 $0xFFFFFF90  }
.LBB2_1:
0x48: {  	s1 =	rddreg [dreg:$0x7]  }
0x49: {  	[tilespmem:s6], [sflag:$0x1] =	stream.linear.gather [hbm4b:s1+s6], $0x18700, $0x38;
	[tilespmem:$0x1FF70] =	vst v63  }
0x4a: {  	s8 =	simm.s32 $0x0;
	s1 =	simm.s32 $0x40  }
.LBB2_2:
0x4b: {  	p1 =	sne.s32 s1, $0x1FC0;
	[tilespmem:s8+$0x18F00] =	vst v0;
	s8 =	smov.u32 s1;
	s1 =	sadd.s32 $0x40, s1  }
.Ltmp2:
0x4c: {  	(pc) =	sbr.rel @p1 .LBB2_2-.Ltmp2, $2  }
0x4d: {  	_ =	sdelay $0x2  }
0x4e: {  	s8 =	sshra.s32 s8, $0x2  }
0x4f: {  	[tilespmem:s8+$0x18F00] =	vst v0  }
0x50: {  	[spmem:s22] =	stream.linear.scatter [tilespmem:s30], [sflag:$0x9], $0x800, $0x38;
	[tilespmem:$0x1FF70] =	vst v63  }
0x51: {  	_ =	swait.ge [sflag:s31], $0x800  }
0x52: {  	[sflag:s31] =	ssyncset.done $0x0  }
0x53: {  	s1 =	rddreg [dreg:$0x8];
	[sflag:s31] =	ssyncadd.s32 $0xFFFFF800  }
0x54: {  	[spmem:s1] =	stream.linear.scatter [tilespmem:s30], [sflag:$0x9], $0x800, $0x38;
	[tilespmem:$0x1FF70] =	vst v63  }
0x55: {  	_ =	swait.ge [sflag:s31], $0x800  }
0x56: {  	[sflag:s31] =	ssyncset.done $0x0  }
0x57: {  	s12 =	smov.u32 s22;
	s22 =	rddreg [dreg:$0x9];
	[sflag:s31] =	ssyncadd.s32 $0xFFFFF800  }
0x58: {  	[spmem:s22] =	stream.linear.scatter [tilespmem:s30], [sflag:$0x9], $0x800, $0x38;
	[tilespmem:$0x1FF70] =	vst v63  }
0x59: {  	_ =	swait.ge [sflag:s31], $0x800  }
0x5a: {  	[sflag:s31] =	ssyncset.done $0x0  }
0x5b: {  	s26 =	rddreg [dreg:$0xa];
	[sflag:s31] =	ssyncadd.s32 $0xFFFFF800  }
0x5c: {  	[spmem:s26] =	stream.linear.scatter [tilespmem:s30], [sflag:$0x9], $0x70, $0x38;
	[tilespmem:$0x1FF70] =	vst v63  }
0x5d: {  	_ =	swait.ge [sflag:s31], $0x70  }
0x5e: {  	[sflag:s31] =	ssyncset.done $0x0  }
0x5f: {  	[sflag:s31] =	ssyncadd.s32 $0xFFFFFF90  }
0x60: {  	_ =	swait.ge [sflag:s0], $0x18700  }
0x61: {  	[sflag:s0] =	ssyncset.done $0x0  }
0x62: {  	[sflag:s0] =	ssyncadd.s32 $0xFFFE7900  }
0x63: {  	[bflag:$0x0] =	sbarrier.arrive $0xFFFF  }
0x64: {  	s10 =	simm.s32 $0x18700;
	s22 =	simm.s32 $0x0;
	s8 =	rddreg [dreg:$0xb]  }
0x65: {  	[tilespmem:s10], [sflag:$0x1] =	stream.linear.gather [hbm4b:s8+s22], $0x800, $0x38;
	[tilespmem:$0x1FF70] =	vst v63  }
0x66: {  	s11 =	rddreg [dreg:$0xc]  }
0x67: {  	[tilespmem:s30], [sflag:$0x1] =	stream.linear.gather [hbm4b:s11+s22], $0x800, $0x38;
	[tilespmem:$0x1FF70] =	vst v63  }
0x68: {  	s26 =	rddreg [dreg:$0xd]  }
0x69: {  	[tilespmem:s23], [sflag:$0x1] =	stream.linear.gather [hbm4b:s26+s22], $0x800, $0x38;
	[tilespmem:$0x1FF70] =	vst v63  }
0x6a: {  	s8 =	rddreg [dreg:$0xe];
	s10 =	simm.s32 $0x19F00  }
0x6b: {  	[tilespmem:s10], [sflag:$0x2] =	stream.linear.gather [hbm4b:s8+s22], $0x800, $0x38;
	[tilespmem:$0x1FF70] =	vst v63  }
.Ltmp3:
0x6c: {  	_ = 	snop;
	(pc) =	sbr.rel .LBB2_4-.Ltmp3, $4  }
0x6d: {  	s11 =	rddreg [dreg:$0xf]  }
0x6e: {  	[tilespmem:s24], [sflag:$0x2] =	stream.linear.gather [hbm4b:s11+s22], $0x800, $0x38;
	[tilespmem:$0x1FF70] =	vst v63  }
0x6f: {  	s26 =	rddreg [dreg:$0x10]  }
0x70: {  	[tilespmem:s25], [sflag:$0x2] =	stream.linear.gather [hbm4b:s26+s22], $0x800, $0x38;
	[tilespmem:$0x1FF70] =	vst v63  }
.LBB2_14:
0x71: {  	s22 =	sadd.s32 $0x1, s22  }
0x72: {  	p1 =	sne.s32 s22, $0x31  }
.Ltmp4:
0x73: {  	_ = 	snop;
	(pc) =	sbr.rel @!p1 .LBB2_15-.Ltmp4, $1  }
0x74: {  	_ =	sdelay $0x3  }
.LBB2_4:
0x75: {  	p1 =	seq.s32 s22, $0x0;
	s26 =	sshll.u32 s22, $0xD  }
0x76: {  	s1 =	simm.s32 @!p1 $0x7;
	s8 =	sadd.s32 s26, s9  }
0x77: {  	_ =	swait.ge @!p1 [sflag:s1], $0x800;
	s8 =	sadd.s32 $0x1000, s8  }
0x78: {  	[sflag:s1] =	ssyncset.done @!p1 $0x0;
	s8 =	sshrl.u32 s8, $0x3  }
0x79: {  	[sflag:s1] =	ssyncadd.s32 @!p1 $0xFFFFF800;
	s10 =	sadd.s32 s2, s8  }
0x7a: {  	[tilespmem:s7], [sflag:$0x3] =	stream.linear.gather [hbm4b:s10+s6], $0x800, $0x38;
	[tilespmem:$0x1FF70] =	vst v63  }
0x7b: {  	s11 =	sadd.s32 s3, s8  }
0x7c: {  	[tilespmem:s13], [sflag:$0x3] =	stream.linear.gather [hbm4b:s11+s6], $0x800, $0x38;
	[tilespmem:$0x1FF70] =	vst v63  }
0x7d: {  	s10 =	sadd.s32 s4, s8  }
0x7e: {  	[tilespmem:s14], [sflag:$0x3] =	stream.linear.gather [hbm4b:s10+s6], $0x800, $0x38;
	[tilespmem:$0x1FF70] =	vst v63  }
0x7f: {  	_ =	swait.ge [sflag:s0], $0x800  }
0x80: {  	[sflag:s0] =	ssyncset.done $0x0  }
0x81: {  	[sflag:s0] =	ssyncadd.s32 $0xFFFFF800  }
0x82: {  	_ =	swait.ge [sflag:s0], $0x800  }
0x83: {  	[sflag:s0] =	ssyncset.done $0x0  }
0x84: {  	[sflag:s0] =	ssyncadd.s32 $0xFFFFF800  }
0x85: {  	_ =	swait.ge [sflag:s0], $0x800  }
0x86: {  	[sflag:s0] =	ssyncset.done $0x0  }
0x87: {  	s11 =	simm.s32 $0x18740;
	[sflag:s0] =	ssyncadd.s32 $0xFFFFF800  }
0x88: {  	v1 =	vld [tilespmem:s11+$0x30]  }
0x89: {  	v2 =	vld [tilespmem:s11+$0xFFFFFFD0]  }
0x8a: {  	v3 =	vld [tilespmem:s11+$0xFFFFFFE0]  }
0x8b: {  	v4 =	vld [tilespmem:s11+$0xFFFFFFF0]  }
0x8c: {  	v6 =	vld [tilespmem:s11+$0x0]  }
0x8d: {  	v7 =	vld [tilespmem:s11+$0x10]  }
0x8e: {  	v8 =	vld [tilespmem:s11+$0x20]  }
0x8f: {  	s1 =	simm.s32 $0x18F40;
	v9 =	vld [tilespmem:s11+$0xFFFFFFC0]  }
0x90: {  	v12 =	vld [tilespmem:s1+$0x30]  }
0x91: {  	v15 =	vld [tilespmem:s1+$0xFFFFFFD0]  }
0x92: {  	v10 =	vld [tilespmem:s1+$0xFFFFFFE0]  }
0x93: {  	v11 =	vld.idx.msk [tilespmem:v1+s6+$0x0], $0xffff  }
0x94: {  	v13 =	vld.idx.msk [tilespmem:v2+s6+$0x0], $0xffff  }
0x95: {  	v5 =	vld.idx.msk [tilespmem:v3+s6+$0x0], $0xffff  }
0x96: {  	v4 =	vld.idx.msk [tilespmem:v4+s6+$0x0], $0xffff  }
0x97: {  	v14 =	vld.idx.msk [tilespmem:v9+s6+$0x0], $0xffff  }
0x98: {  	v2 =	vld.idx.msk [tilespmem:v8+s6+$0x0], $0xffff  }
0x99: {  	v8 =	vld [tilespmem:s1+$0xFFFFFFC0]  }
0x9a: {  	v3 =	vld.idx.msk [tilespmem:v6+s6+$0x0], $0xffff  }
0x9b: {  	v1 =	vld.idx.msk [tilespmem:v7+s6+$0x0], $0xffff  }
0x9c: {  	v9 =	vld [tilespmem:s1+$0xFFFFFFF0]  }
0x9d: {  	v7 =	vld [tilespmem:s1+$0x0];
	v11 =	vmul.f32 v12, v11  }
0x9e: {  	v6 =	vld [tilespmem:s1+$0x10];
	v12 =	vmul.f32 v8, v14  }
0x9f: {  	s8 =	sshll.u32 s22, $0x2;
	s10 =	simm.s32 $0x0;
	s11 =	simm.s32 $0x187C0;
	v8 =	vld [tilespmem:s1+$0x20];
	[tilespmem:s1+$0x30] =	vst v11;
	v11 =	vmul.f32 v15, v13  }
.LBB2_5:
0xa0: {  	v13 =	vld [tilespmem:s11+$0x30];
	s10 =	sadd.s32 $0x80, s10;
	[tilespmem:s1+$0xFFFFFFC0] =	vst v12;
	v5 =	vmul.f32 v10, v5  }
0xa1: {  	v10 =	vld [tilespmem:s11+$0xFFFFFFD0];
	p1 =	slt.u32 s10, $0x780;
	[tilespmem:s1+$0xFFFFFFD0] =	vst v11;
	v4 =	vmul.f32 v9, v4  }
0xa2: {  	v9 =	vld [tilespmem:s11+$0xFFFFFFE0];
	[tilespmem:s1+$0xFFFFFFE0] =	vst v5;
	v3 =	vmul.f32 v7, v3  }
0xa3: {  	v7 =	vld [tilespmem:s11+$0xFFFFFFF0];
	[tilespmem:s1+$0xFFFFFFF0] =	vst v4;
	v1 =	vmul.f32 v6, v1  }
0xa4: {  	v6 =	vld [tilespmem:s11+$0x0];
	[tilespmem:s1+$0x0] =	vst v3;
	v2 =	vmul.f32 v8, v2  }
0xa5: {  	v8 =	vld [tilespmem:s11+$0x10];
	[tilespmem:s1+$0x10] =	vst v1  }
0xa6: {  	v11 =	vld [tilespmem:s11+$0x20];
	[tilespmem:s1+$0x20] =	vst v2  }
0xa7: {  	v2 =	vld [tilespmem:s11+$0xFFFFFFC0]  }
0xa8: {  	s1 =	sadd.s32 $0x80, s1;
	v12 =	vld.idx.msk [tilespmem:v13+s6+$0x0], $0xffff  }
0xa9: {  	v13 =	vld [tilespmem:s1+$0x30]  }
0xaa: {  	v14 =	vld.idx.msk [tilespmem:v10+s6+$0x0], $0xffff  }
0xab: {  	v5 =	vld.idx.msk [tilespmem:v9+s6+$0x0], $0xffff  }
0xac: {  	v4 =	vld.idx.msk [tilespmem:v7+s6+$0x0], $0xffff  }
0xad: {  	v3 =	vld.idx.msk [tilespmem:v6+s6+$0x0], $0xffff  }
0xae: {  	v1 =	vld.idx.msk [tilespmem:v8+s6+$0x0], $0xffff;
	v6 =	vmul.f32 v13, v12  }
0xaf: {  	v8 =	vld.idx.msk [tilespmem:v2+s6+$0x0], $0xffff  }
0xb0: {  	v2 =	vld.idx.msk [tilespmem:v11+s6+$0x0], $0xffff;
	[tilespmem:s1+$0x30] =	vst v6  }
0xb1: {  	v6 =	vld [tilespmem:s1+$0xFFFFFFC0]  }
0xb2: {  	v11 =	vld [tilespmem:s1+$0xFFFFFFD0]  }
.Ltmp5:
0xb3: {  	v10 =	vld [tilespmem:s1+$0xFFFFFFE0];
	(pc) =	sbr.rel @p1 .LBB2_5-.Ltmp5, $4  }
0xb4: {  	v9 =	vld [tilespmem:s1+$0xFFFFFFF0]  }
0xb5: {  	v7 =	vld [tilespmem:s1+$0x0]  }
0xb6: {  	v12 =	vmul.f32 v6, v8;
	v6 =	vld [tilespmem:s1+$0x10]  }
0xb7: {  	s11 =	sadd.s32 $0x80, s11;
	v11 =	vmul.f32 v11, v14;
	v8 =	vld [tilespmem:s1+$0x20]  }
0xb8: {  	[tilespmem:s1+$0xFFFFFFC0] =	vst v12;
	v5 =	vmul.f32 v10, v5  }
0xb9: {  	[tilespmem:s1+$0xFFFFFFD0] =	vst v11;
	v4 =	vmul.f32 v9, v4  }
0xba: {  	[tilespmem:s1+$0xFFFFFFE0] =	vst v5;
	v3 =	vmul.f32 v7, v3  }
0xbb: {  	[tilespmem:s1+$0xFFFFFFF0] =	vst v4;
	v1 =	vmul.f32 v6, v1  }
0xbc: {  	[tilespmem:s1+$0x0] =	vst v3;
	v2 =	vmul.f32 v8, v2  }
0xbd: {  	[tilespmem:s1+$0x10] =	vst v1  }
0xbe: {  	[tilespmem:s1+$0x20] =	vst v2;
	s1 =	sor.u32 $0x3, s8  }
0xbf: {  	[spmem:s5] =	stream.indirect.scatter.add.f32 [tilespmem:s30], [sflag:$0x5], $0x1, s23, s15, $0xb8;
	[tilespmem:$0x1FF70] =	vst v63  }
0xc0: {  	p1 =	sgt.u32 s1, $0xC2  }
0xc1: {  	p2 =	seq.s32 @!p1 s22, $0x0  }
0xc2: {  	p2 =	por p2, p1  }
0xc3: {  	s1 =	sshll.u32 @!p1 s1, $0xB;
	s8 =	simm.s32 @!p2 $0x8  }
0xc4: {  	s1 =	sadd.s32 @!p1 s9, s1;
	_ =	swait.ge @!p2 [sflag:s8], $0x800  }
0xc5: {  	s10 =	simm.s32 @!p1 $0x0;
	s1 =	sshrl.u32 @!p1 s1, $0x3;
	[sflag:s8] =	ssyncset.done @!p2 $0x0  }
0xc6: {  	s11 =	simm.s32 @!p1 $0x1CF00;
	[sflag:s8] =	ssyncadd.s32 @!p2 $0xFFFFF800;
	s8 =	sadd.s32 @!p1 s2, s1  }
0xc7: {  	[tilespmem:s11], [sflag:$0x4] =	stream.linear.gather @!p1 [hbm4b:s8+s10], $0x800, $0x38;
	[tilespmem:$0x1FF70] =	vst v63  }
0xc8: {  	s8 =	sadd.s32 @!p1 s3, s1;
	s11 =	simm.s32 @!p1 $0x1D700  }
0xc9: {  	[tilespmem:s11], [sflag:$0x4] =	stream.linear.gather @!p1 [hbm4b:s8+s10], $0x800, $0x38;
	[tilespmem:$0x1FF70] =	vst v63  }
0xca: {  	s1 =	sadd.s32 @!p1 s4, s1;
	s8 =	simm.s32 @!p1 $0x1DF00  }
0xcb: {  	[tilespmem:s8], [sflag:$0x4] =	stream.linear.gather @!p1 [hbm4b:s1+s10], $0x800, $0x38;
	[tilespmem:$0x1FF70] =	vst v63  }
0xcc: {  	_ =	swait.ge [sflag:s16], $0x800  }
0xcd: {  	[sflag:s16] =	ssyncset.done $0x0  }
0xce: {  	[sflag:s16] =	ssyncadd.s32 $0xFFFFF800  }
0xcf: {  	_ =	swait.ge [sflag:s16], $0x800  }
0xd0: {  	[sflag:s16] =	ssyncset.done $0x0  }
0xd1: {  	[sflag:s16] =	ssyncadd.s32 $0xFFFFF800  }
0xd2: {  	_ =	swait.ge [sflag:s16], $0x800  }
0xd3: {  	[sflag:s16] =	ssyncset.done $0x0  }
0xd4: {  	s11 =	simm.s32 $0x19F40;
	[sflag:s16] =	ssyncadd.s32 $0xFFFFF800  }
0xd5: {  	v1 =	vld [tilespmem:s11+$0x30]  }
0xd6: {  	v2 =	vld [tilespmem:s11+$0xFFFFFFD0]  }
0xd7: {  	v3 =	vld [tilespmem:s11+$0xFFFFFFE0]  }
0xd8: {  	v4 =	vld [tilespmem:s11+$0xFFFFFFF0]  }
0xd9: {  	v6 =	vld [tilespmem:s11+$0x0]  }
0xda: {  	v7 =	vld [tilespmem:s11+$0x10]  }
0xdb: {  	v8 =	vld [tilespmem:s11+$0x20]  }
0xdc: {  	s1 =	simm.s32 $0x1A740;
	v9 =	vld [tilespmem:s11+$0xFFFFFFC0]  }
0xdd: {  	v12 =	vld [tilespmem:s1+$0x30]  }
0xde: {  	v15 =	vld [tilespmem:s1+$0xFFFFFFD0]  }
0xdf: {  	v10 =	vld [tilespmem:s1+$0xFFFFFFE0]  }
0xe0: {  	v11 =	vld.idx.msk [tilespmem:v1+s6+$0x0], $0xffff  }
0xe1: {  	v13 =	vld.idx.msk [tilespmem:v2+s6+$0x0], $0xffff  }
0xe2: {  	v5 =	vld.idx.msk [tilespmem:v3+s6+$0x0], $0xffff  }
0xe3: {  	v4 =	vld.idx.msk [tilespmem:v4+s6+$0x0], $0xffff  }
0xe4: {  	v14 =	vld.idx.msk [tilespmem:v9+s6+$0x0], $0xffff  }
0xe5: {  	v2 =	vld.idx.msk [tilespmem:v8+s6+$0x0], $0xffff  }
0xe6: {  	v8 =	vld [tilespmem:s1+$0xFFFFFFC0]  }
0xe7: {  	v3 =	vld.idx.msk [tilespmem:v6+s6+$0x0], $0xffff  }
0xe8: {  	v1 =	vld.idx.msk [tilespmem:v7+s6+$0x0], $0xffff  }
0xe9: {  	v9 =	vld [tilespmem:s1+$0xFFFFFFF0]  }
0xea: {  	v7 =	vld [tilespmem:s1+$0x0];
	v11 =	vmul.f32 v12, v11  }
0xeb: {  	v6 =	vld [tilespmem:s1+$0x10];
	v12 =	vmul.f32 v8, v14  }
0xec: {  	s8 =	simm.s32 $0x0;
	s10 =	simm.s32 $0x19FC0;
	v8 =	vld [tilespmem:s1+$0x20];
	[tilespmem:s1+$0x30] =	vst v11;
	v11 =	vmul.f32 v15, v13  }
.LBB2_7:
0xed: {  	v13 =	vld [tilespmem:s10+$0x30];
	s8 =	sadd.s32 $0x80, s8;
	[tilespmem:s1+$0xFFFFFFC0] =	vst v12;
	v5 =	vmul.f32 v10, v5  }
0xee: {  	v10 =	vld [tilespmem:s10+$0xFFFFFFD0];
	p2 =	slt.u32 s8, $0x780;
	[tilespmem:s1+$0xFFFFFFD0] =	vst v11;
	v4 =	vmul.f32 v9, v4  }
0xef: {  	v9 =	vld [tilespmem:s10+$0xFFFFFFE0];
	[tilespmem:s1+$0xFFFFFFE0] =	vst v5;
	v3 =	vmul.f32 v7, v3  }
0xf0: {  	v7 =	vld [tilespmem:s10+$0xFFFFFFF0];
	[tilespmem:s1+$0xFFFFFFF0] =	vst v4;
	v1 =	vmul.f32 v6, v1  }
0xf1: {  	v6 =	vld [tilespmem:s10+$0x0];
	[tilespmem:s1+$0x0] =	vst v3;
	v2 =	vmul.f32 v8, v2  }
0xf2: {  	v8 =	vld [tilespmem:s10+$0x10];
	[tilespmem:s1+$0x10] =	vst v1  }
0xf3: {  	v11 =	vld [tilespmem:s10+$0x20];
	[tilespmem:s1+$0x20] =	vst v2  }
0xf4: {  	v2 =	vld [tilespmem:s10+$0xFFFFFFC0]  }
0xf5: {  	s1 =	sadd.s32 $0x80, s1;
	v12 =	vld.idx.msk [tilespmem:v13+s6+$0x0], $0xffff  }
0xf6: {  	v13 =	vld [tilespmem:s1+$0x30]  }
0xf7: {  	v14 =	vld.idx.msk [tilespmem:v10+s6+$0x0], $0xffff  }
0xf8: {  	v5 =	vld.idx.msk [tilespmem:v9+s6+$0x0], $0xffff  }
0xf9: {  	v4 =	vld.idx.msk [tilespmem:v7+s6+$0x0], $0xffff  }
0xfa: {  	v3 =	vld.idx.msk [tilespmem:v6+s6+$0x0], $0xffff  }
0xfb: {  	v1 =	vld.idx.msk [tilespmem:v8+s6+$0x0], $0xffff;
	v6 =	vmul.f32 v13, v12  }
0xfc: {  	v8 =	vld.idx.msk [tilespmem:v2+s6+$0x0], $0xffff  }
0xfd: {  	v2 =	vld.idx.msk [tilespmem:v11+s6+$0x0], $0xffff;
	[tilespmem:s1+$0x30] =	vst v6  }
0xfe: {  	v6 =	vld [tilespmem:s1+$0xFFFFFFC0]  }
0xff: {  	v11 =	vld [tilespmem:s1+$0xFFFFFFD0]  }
.Ltmp6:
0x100: {  	v10 =	vld [tilespmem:s1+$0xFFFFFFE0];
	(pc) =	sbr.rel @p2 .LBB2_7-.Ltmp6, $4  }
0x101: {  	v9 =	vld [tilespmem:s1+$0xFFFFFFF0]  }
0x102: {  	v7 =	vld [tilespmem:s1+$0x0]  }
0x103: {  	v12 =	vmul.f32 v6, v8;
	v6 =	vld [tilespmem:s1+$0x10]  }
0x104: {  	s10 =	sadd.s32 $0x80, s10;
	v11 =	vmul.f32 v11, v14;
	v8 =	vld [tilespmem:s1+$0x20]  }
0x105: {  	[tilespmem:s1+$0xFFFFFFC0] =	vst v12;
	v5 =	vmul.f32 v10, v5  }
0x106: {  	[tilespmem:s1+$0xFFFFFFD0] =	vst v11;
	v4 =	vmul.f32 v9, v4  }
0x107: {  	[tilespmem:s1+$0xFFFFFFE0] =	vst v5;
	v3 =	vmul.f32 v7, v3  }
0x108: {  	[tilespmem:s1+$0xFFFFFFF0] =	vst v4;
	v1 =	vmul.f32 v6, v1  }
0x109: {  	[tilespmem:s1+$0x0] =	vst v3;
	v2 =	vmul.f32 v8, v2  }
0x10a: {  	p2 =	seq.s32 s22, $0x30;
	[tilespmem:s1+$0x10] =	vst v1  }
0x10b: {  	[tilespmem:s1+$0x20] =	vst v2;
	s1 =	simm.s32 @!p2 $0x5  }
0x10c: {  	[spmem:s5] =	stream.indirect.scatter.add.f32 [tilespmem:s24], [sflag:$0x6], $0x1, s25, s15, $0xb8;
	[tilespmem:$0x1FF70] =	vst v63  }
0x10d: {  	_ =	swait.ge @!p2 [sflag:s1], $0x800  }
0x10e: {  	s8 =	sadd.s32 @!p2 s26, s28;
	[sflag:s1] =	ssyncset.done @!p2 $0x0  }
0x10f: {  	[sflag:s1] =	ssyncadd.s32 @!p2 $0xFFFFF800;
	s1 =	sshrl.u32 @!p2 s8, $0x3  }
0x110: {  	s10 =	simm.s32 @!p2 $0x0;
	s11 =	simm.s32 @!p2 $0x18700;
	s8 =	sadd.s32 @!p2 s2, s1  }
0x111: {  	[tilespmem:s11], [sflag:$0x1] =	stream.linear.gather @!p2 [hbm4b:s8+s10], $0x800, $0x38;
	[tilespmem:$0x1FF70] =	vst v63  }
0x112: {  	s8 =	sadd.s32 @!p2 s3, s1;
	s11 =	simm.s32 @!p2 $0x18F00  }
0x113: {  	[tilespmem:s11], [sflag:$0x1] =	stream.linear.gather @!p2 [hbm4b:s8+s10], $0x800, $0x38;
	[tilespmem:$0x1FF70] =	vst v63  }
0x114: {  	s1 =	sadd.s32 @!p2 s4, s1;
	s8 =	simm.s32 @!p2 $0x19700  }
0x115: {  	[tilespmem:s8], [sflag:$0x1] =	stream.linear.gather @!p2 [hbm4b:s1+s10], $0x800, $0x38;
	[tilespmem:$0x1FF70] =	vst v63  }
0x116: {  	_ =	swait.ge [sflag:s17], $0x800  }
0x117: {  	[sflag:s17] =	ssyncset.done $0x0  }
0x118: {  	[sflag:s17] =	ssyncadd.s32 $0xFFFFF800  }
0x119: {  	_ =	swait.ge [sflag:s17], $0x800  }
0x11a: {  	[sflag:s17] =	ssyncset.done $0x0  }
0x11b: {  	[sflag:s17] =	ssyncadd.s32 $0xFFFFF800  }
0x11c: {  	_ =	swait.ge [sflag:s17], $0x800  }
0x11d: {  	[sflag:s17] =	ssyncset.done $0x0  }
0x11e: {  	s11 =	simm.s32 $0x1B740;
	[sflag:s17] =	ssyncadd.s32 $0xFFFFF800  }
0x11f: {  	v1 =	vld [tilespmem:s11+$0x30]  }
0x120: {  	v2 =	vld [tilespmem:s11+$0xFFFFFFD0]  }
0x121: {  	v3 =	vld [tilespmem:s11+$0xFFFFFFE0]  }
0x122: {  	v4 =	vld [tilespmem:s11+$0xFFFFFFF0]  }
0x123: {  	v6 =	vld [tilespmem:s11+$0x0]  }
0x124: {  	v7 =	vld [tilespmem:s11+$0x10]  }
0x125: {  	v8 =	vld [tilespmem:s11+$0x20]  }
0x126: {  	s1 =	simm.s32 $0x1BF40;
	v9 =	vld [tilespmem:s11+$0xFFFFFFC0]  }
0x127: {  	v12 =	vld [tilespmem:s1+$0x30]  }
0x128: {  	v15 =	vld [tilespmem:s1+$0xFFFFFFD0]  }
0x129: {  	v10 =	vld [tilespmem:s1+$0xFFFFFFE0]  }
0x12a: {  	v11 =	vld.idx.msk [tilespmem:v1+s6+$0x0], $0xffff  }
0x12b: {  	v13 =	vld.idx.msk [tilespmem:v2+s6+$0x0], $0xffff  }
0x12c: {  	v5 =	vld.idx.msk [tilespmem:v3+s6+$0x0], $0xffff  }
0x12d: {  	v4 =	vld.idx.msk [tilespmem:v4+s6+$0x0], $0xffff  }
0x12e: {  	v14 =	vld.idx.msk [tilespmem:v9+s6+$0x0], $0xffff  }
0x12f: {  	v2 =	vld.idx.msk [tilespmem:v8+s6+$0x0], $0xffff  }
0x130: {  	v8 =	vld [tilespmem:s1+$0xFFFFFFC0]  }
0x131: {  	v3 =	vld.idx.msk [tilespmem:v6+s6+$0x0], $0xffff  }
0x132: {  	v1 =	vld.idx.msk [tilespmem:v7+s6+$0x0], $0xffff  }
0x133: {  	v9 =	vld [tilespmem:s1+$0xFFFFFFF0]  }
0x134: {  	v7 =	vld [tilespmem:s1+$0x0];
	v11 =	vmul.f32 v12, v11  }
0x135: {  	v6 =	vld [tilespmem:s1+$0x10];
	v12 =	vmul.f32 v8, v14  }
0x136: {  	s8 =	simm.s32 $0x0;
	s10 =	simm.s32 $0x1B7C0;
	v8 =	vld [tilespmem:s1+$0x20];
	[tilespmem:s1+$0x30] =	vst v11;
	v11 =	vmul.f32 v15, v13  }
.LBB2_9:
0x137: {  	v13 =	vld [tilespmem:s10+$0x30];
	s8 =	sadd.s32 $0x80, s8;
	[tilespmem:s1+$0xFFFFFFC0] =	vst v12;
	v5 =	vmul.f32 v10, v5  }
0x138: {  	v10 =	vld [tilespmem:s10+$0xFFFFFFD0];
	p3 =	slt.u32 s8, $0x780;
	[tilespmem:s1+$0xFFFFFFD0] =	vst v11;
	v4 =	vmul.f32 v9, v4  }
0x139: {  	v9 =	vld [tilespmem:s10+$0xFFFFFFE0];
	[tilespmem:s1+$0xFFFFFFE0] =	vst v5;
	v3 =	vmul.f32 v7, v3  }
0x13a: {  	v7 =	vld [tilespmem:s10+$0xFFFFFFF0];
	[tilespmem:s1+$0xFFFFFFF0] =	vst v4;
	v1 =	vmul.f32 v6, v1  }
0x13b: {  	v6 =	vld [tilespmem:s10+$0x0];
	[tilespmem:s1+$0x0] =	vst v3;
	v2 =	vmul.f32 v8, v2  }
0x13c: {  	v8 =	vld [tilespmem:s10+$0x10];
	[tilespmem:s1+$0x10] =	vst v1  }
0x13d: {  	v11 =	vld [tilespmem:s10+$0x20];
	[tilespmem:s1+$0x20] =	vst v2  }
0x13e: {  	v2 =	vld [tilespmem:s10+$0xFFFFFFC0]  }
0x13f: {  	s1 =	sadd.s32 $0x80, s1;
	v12 =	vld.idx.msk [tilespmem:v13+s6+$0x0], $0xffff  }
0x140: {  	v13 =	vld [tilespmem:s1+$0x30]  }
0x141: {  	v14 =	vld.idx.msk [tilespmem:v10+s6+$0x0], $0xffff  }
0x142: {  	v5 =	vld.idx.msk [tilespmem:v9+s6+$0x0], $0xffff  }
0x143: {  	v4 =	vld.idx.msk [tilespmem:v7+s6+$0x0], $0xffff  }
0x144: {  	v3 =	vld.idx.msk [tilespmem:v6+s6+$0x0], $0xffff  }
0x145: {  	v1 =	vld.idx.msk [tilespmem:v8+s6+$0x0], $0xffff;
	v6 =	vmul.f32 v13, v12  }
0x146: {  	v8 =	vld.idx.msk [tilespmem:v2+s6+$0x0], $0xffff  }
0x147: {  	v2 =	vld.idx.msk [tilespmem:v11+s6+$0x0], $0xffff;
	[tilespmem:s1+$0x30] =	vst v6  }
0x148: {  	v6 =	vld [tilespmem:s1+$0xFFFFFFC0]  }
0x149: {  	v11 =	vld [tilespmem:s1+$0xFFFFFFD0]  }
.Ltmp7:
0x14a: {  	v10 =	vld [tilespmem:s1+$0xFFFFFFE0];
	(pc) =	sbr.rel @p3 .LBB2_9-.Ltmp7, $4  }
0x14b: {  	v9 =	vld [tilespmem:s1+$0xFFFFFFF0]  }
0x14c: {  	v7 =	vld [tilespmem:s1+$0x0]  }
0x14d: {  	v12 =	vmul.f32 v6, v8;
	v6 =	vld [tilespmem:s1+$0x10]  }
0x14e: {  	s10 =	sadd.s32 $0x80, s10;
	v11 =	vmul.f32 v11, v14;
	v8 =	vld [tilespmem:s1+$0x20]  }
0x14f: {  	[tilespmem:s1+$0xFFFFFFC0] =	vst v12;
	v5 =	vmul.f32 v10, v5  }
0x150: {  	[tilespmem:s1+$0xFFFFFFD0] =	vst v11;
	v4 =	vmul.f32 v9, v4  }
0x151: {  	[tilespmem:s1+$0xFFFFFFE0] =	vst v5;
	v3 =	vmul.f32 v7, v3  }
0x152: {  	[tilespmem:s1+$0xFFFFFFF0] =	vst v4;
	v1 =	vmul.f32 v6, v1  }
0x153: {  	[tilespmem:s1+$0x0] =	vst v3;
	v2 =	vmul.f32 v8, v2  }
0x154: {  	[tilespmem:s1+$0x10] =	vst v1  }
0x155: {  	[tilespmem:s1+$0x20] =	vst v2;
	s1 =	simm.s32 @!p2 $0x6  }
0x156: {  	[spmem:s5] =	stream.indirect.scatter.add.f32 [tilespmem:s13], [sflag:$0x7], $0x1, s14, s15, $0xb8;
	[tilespmem:$0x1FF70] =	vst v63  }
0x157: {  	_ =	swait.ge @!p2 [sflag:s1], $0x800  }
0x158: {  	s8 =	sadd.s32 @!p2 s26, s29;
	[sflag:s1] =	ssyncset.done @!p2 $0x0  }
0x159: {  	[sflag:s1] =	ssyncadd.s32 @!p2 $0xFFFFF800;
	s1 =	sshrl.u32 @!p2 s8, $0x3  }
0x15a: {  	s10 =	simm.s32 @!p2 $0x0;
	s11 =	simm.s32 @!p2 $0x19F00;
	s8 =	sadd.s32 @!p2 s2, s1  }
0x15b: {  	[tilespmem:s11], [sflag:$0x2] =	stream.linear.gather @!p2 [hbm4b:s8+s10], $0x800, $0x38;
	[tilespmem:$0x1FF70] =	vst v63  }
.Ltmp8:
0x15c: {  	_ = 	snop;
	(pc) =	sbr.rel @p1 .LBB2_14-.Ltmp8, $4  }
0x15d: {  	s8 =	sadd.s32 @!p2 s3, s1;
	s11 =	simm.s32 @!p2 $0x1A700  }
0x15e: {  	[tilespmem:s11], [sflag:$0x2] =	stream.linear.gather @!p2 [hbm4b:s8+s10], $0x800, $0x38;
	[tilespmem:$0x1FF70] =	vst v63  }
0x15f: {  	s1 =	sadd.s32 @!p2 s4, s1;
	s8 =	simm.s32 @!p2 $0x1AF00  }
0x160: {  	[tilespmem:s8], [sflag:$0x2] =	stream.linear.gather @!p2 [hbm4b:s1+s10], $0x800, $0x38;
	[tilespmem:$0x1FF70] =	vst v63  }
0x161: {  	_ =	swait.ge [sflag:s18], $0x800  }
0x162: {  	[sflag:s18] =	ssyncset.done $0x0  }
0x163: {  	[sflag:s18] =	ssyncadd.s32 $0xFFFFF800  }
0x164: {  	_ =	swait.ge [sflag:s18], $0x800  }
0x165: {  	[sflag:s18] =	ssyncset.done $0x0  }
0x166: {  	[sflag:s18] =	ssyncadd.s32 $0xFFFFF800  }
0x167: {  	_ =	swait.ge [sflag:s18], $0x800  }
0x168: {  	[sflag:s18] =	ssyncset.done $0x0  }
0x169: {  	s1 =	simm.s32 $0x1CF40;
	[sflag:s18] =	ssyncadd.s32 $0xFFFFF800  }
0x16a: {  	v1 =	vld [tilespmem:s1+$0x30]  }
0x16b: {  	v2 =	vld [tilespmem:s1+$0xFFFFFFD0]  }
0x16c: {  	v3 =	vld [tilespmem:s1+$0xFFFFFFE0]  }
0x16d: {  	v4 =	vld [tilespmem:s1+$0xFFFFFFF0]  }
0x16e: {  	v6 =	vld [tilespmem:s1+$0x0]  }
0x16f: {  	v7 =	vld [tilespmem:s1+$0x10]  }
0x170: {  	v8 =	vld [tilespmem:s1+$0x20]  }
0x171: {  	v9 =	vld [tilespmem:s1+$0xFFFFFFC0];
	s1 =	simm.s32 $0x1D740  }
0x172: {  	v12 =	vld [tilespmem:s1+$0x30]  }
0x173: {  	v15 =	vld [tilespmem:s1+$0xFFFFFFD0]  }
0x174: {  	v10 =	vld [tilespmem:s1+$0xFFFFFFE0]  }
0x175: {  	v11 =	vld.idx.msk [tilespmem:v1+s6+$0x0], $0xffff  }
0x176: {  	v13 =	vld.idx.msk [tilespmem:v2+s6+$0x0], $0xffff  }
0x177: {  	v5 =	vld.idx.msk [tilespmem:v3+s6+$0x0], $0xffff  }
0x178: {  	v4 =	vld.idx.msk [tilespmem:v4+s6+$0x0], $0xffff  }
0x179: {  	v14 =	vld.idx.msk [tilespmem:v9+s6+$0x0], $0xffff  }
0x17a: {  	v2 =	vld.idx.msk [tilespmem:v8+s6+$0x0], $0xffff  }
0x17b: {  	v8 =	vld [tilespmem:s1+$0xFFFFFFC0]  }
0x17c: {  	v3 =	vld.idx.msk [tilespmem:v6+s6+$0x0], $0xffff  }
0x17d: {  	v1 =	vld.idx.msk [tilespmem:v7+s6+$0x0], $0xffff  }
0x17e: {  	v9 =	vld [tilespmem:s1+$0xFFFFFFF0]  }
0x17f: {  	v7 =	vld [tilespmem:s1+$0x0];
	v11 =	vmul.f32 v12, v11  }
0x180: {  	v6 =	vld [tilespmem:s1+$0x10];
	v12 =	vmul.f32 v8, v14  }
0x181: {  	s8 =	simm.s32 $0x0;
	s10 =	simm.s32 $0x1CFC0;
	v8 =	vld [tilespmem:s1+$0x20];
	[tilespmem:s1+$0x30] =	vst v11;
	v11 =	vmul.f32 v15, v13  }
.LBB2_12:
0x182: {  	v13 =	vld [tilespmem:s10+$0x30];
	s8 =	sadd.s32 $0x80, s8;
	[tilespmem:s1+$0xFFFFFFC0] =	vst v12;
	v5 =	vmul.f32 v10, v5  }
0x183: {  	v10 =	vld [tilespmem:s10+$0xFFFFFFD0];
	p1 =	slt.u32 s8, $0x780;
	[tilespmem:s1+$0xFFFFFFD0] =	vst v11;
	v4 =	vmul.f32 v9, v4  }
0x184: {  	v9 =	vld [tilespmem:s10+$0xFFFFFFE0];
	[tilespmem:s1+$0xFFFFFFE0] =	vst v5;
	v3 =	vmul.f32 v7, v3  }
0x185: {  	v7 =	vld [tilespmem:s10+$0xFFFFFFF0];
	[tilespmem:s1+$0xFFFFFFF0] =	vst v4;
	v1 =	vmul.f32 v6, v1  }
0x186: {  	v6 =	vld [tilespmem:s10+$0x0];
	[tilespmem:s1+$0x0] =	vst v3;
	v2 =	vmul.f32 v8, v2  }
0x187: {  	v8 =	vld [tilespmem:s10+$0x10];
	[tilespmem:s1+$0x10] =	vst v1  }
0x188: {  	v11 =	vld [tilespmem:s10+$0x20];
	[tilespmem:s1+$0x20] =	vst v2  }
0x189: {  	v2 =	vld [tilespmem:s10+$0xFFFFFFC0]  }
0x18a: {  	s1 =	sadd.s32 $0x80, s1;
	v12 =	vld.idx.msk [tilespmem:v13+s6+$0x0], $0xffff  }
0x18b: {  	v13 =	vld [tilespmem:s1+$0x30]  }
0x18c: {  	v14 =	vld.idx.msk [tilespmem:v10+s6+$0x0], $0xffff  }
0x18d: {  	v5 =	vld.idx.msk [tilespmem:v9+s6+$0x0], $0xffff  }
0x18e: {  	v4 =	vld.idx.msk [tilespmem:v7+s6+$0x0], $0xffff  }
0x18f: {  	v3 =	vld.idx.msk [tilespmem:v6+s6+$0x0], $0xffff  }
0x190: {  	v1 =	vld.idx.msk [tilespmem:v8+s6+$0x0], $0xffff;
	v6 =	vmul.f32 v13, v12  }
0x191: {  	v8 =	vld.idx.msk [tilespmem:v2+s6+$0x0], $0xffff  }
0x192: {  	v2 =	vld.idx.msk [tilespmem:v11+s6+$0x0], $0xffff;
	[tilespmem:s1+$0x30] =	vst v6  }
0x193: {  	v6 =	vld [tilespmem:s1+$0xFFFFFFC0]  }
0x194: {  	v11 =	vld [tilespmem:s1+$0xFFFFFFD0]  }
.Ltmp9:
0x195: {  	v10 =	vld [tilespmem:s1+$0xFFFFFFE0];
	(pc) =	sbr.rel @p1 .LBB2_12-.Ltmp9, $4  }
0x196: {  	v9 =	vld [tilespmem:s1+$0xFFFFFFF0]  }
0x197: {  	v7 =	vld [tilespmem:s1+$0x0]  }
0x198: {  	v12 =	vmul.f32 v6, v8;
	v6 =	vld [tilespmem:s1+$0x10]  }
0x199: {  	s10 =	sadd.s32 $0x80, s10;
	v11 =	vmul.f32 v11, v14;
	v8 =	vld [tilespmem:s1+$0x20]  }
0x19a: {  	[tilespmem:s1+$0xFFFFFFC0] =	vst v12;
	v5 =	vmul.f32 v10, v5  }
0x19b: {  	[tilespmem:s1+$0xFFFFFFD0] =	vst v11;
	v4 =	vmul.f32 v9, v4  }
0x19c: {  	[tilespmem:s1+$0xFFFFFFE0] =	vst v5;
	v3 =	vmul.f32 v7, v3  }
.Ltmp10:
0x19d: {  	[tilespmem:s1+$0xFFFFFFF0] =	vst v4;
	v1 =	vmul.f32 v6, v1;
	(pc) =	sbr.rel .LBB2_14-.Ltmp10, $4  }
0x19e: {  	[tilespmem:s1+$0x0] =	vst v3;
	v2 =	vmul.f32 v8, v2  }
0x19f: {  	[tilespmem:s1+$0x10] =	vst v1  }
0x1a0: {  	[tilespmem:s1+$0x20] =	vst v2  }
0x1a1: {  	[spmem:s5] =	stream.indirect.scatter.add.f32 [tilespmem:s20], [sflag:$0x8], $0x1, s19, s15, $0xb8;
	[tilespmem:$0x1FF70] =	vst v63  }
.LBB2_15:
0x1a2: {  	s1 =	simm.s32 $0x5  }
0x1a3: {  	_ =	swait.ge [sflag:s1], $0x800  }
0x1a4: {  	[sflag:s1] =	ssyncset.done $0x0  }
0x1a5: {  	s11 =	simm.s32 $0x6;
	[sflag:s1] =	ssyncadd.s32 $0xFFFFF800  }
0x1a6: {  	_ =	swait.ge [sflag:s11], $0x800  }
0x1a7: {  	[sflag:s11] =	ssyncset.done $0x0  }
0x1a8: {  	s22 =	simm.s32 $0x7;
	[sflag:s11] =	ssyncadd.s32 $0xFFFFF800  }
0x1a9: {  	_ =	swait.ge [sflag:s22], $0x800  }
.Ltmp11:
0x1aa: {  	[sflag:s22] =	ssyncset.done $0x0;
	(pc) =	sbr.rel @p0 .LBB2_19-.Ltmp11, $4  }
0x1ab: {  	s26 =	simm.s32 $0x8;
	[sflag:s22] =	ssyncadd.s32 $0xFFFFF800  }
0x1ac: {  	_ =	swait.ge [sflag:s26], $0x800  }
0x1ad: {  	[sflag:s26] =	ssyncset.done $0x0  }
0x1ae: {  	s22 =	smov.u32 s12;
	[sflag:s26] =	ssyncadd.s32 $0xFFFFF800  }
0x1af: {  	s1 =	rddreg [dreg:$0x15];
	s8 =	simm.s32 $0x18700  }
0x1b0: {  	[tilespmem:s8], [sflag:$0x9] =	stream.linear.gather [hbm4b:s1+s6], $0x800, $0x38;
	[tilespmem:$0x1FF70] =	vst v63  }
0x1b1: {  	_ =	swait.ge [sflag:s31], $0x800  }
0x1b2: {  	[sflag:s31] =	ssyncset.done $0x0  }
0x1b3: {  	s11 =	rddreg [dreg:$0x16];
	[sflag:s31] =	ssyncadd.s32 $0xFFFFF800  }
0x1b4: {  	[tilespmem:s30], [sflag:$0x9] =	stream.linear.gather [hbm4b:s11+s6], $0x800, $0x38;
	[tilespmem:$0x1FF70] =	vst v63  }
0x1b5: {  	_ =	swait.ge [sflag:s31], $0x800  }
0x1b6: {  	[sflag:s31] =	ssyncset.done $0x0  }
0x1b7: {  	s12 =	rddreg [dreg:$0x17];
	[sflag:s31] =	ssyncadd.s32 $0xFFFFF800  }
0x1b8: {  	[tilespmem:s23], [sflag:$0x9] =	stream.linear.gather [hbm4b:s12+s6], $0x800, $0x38;
	[tilespmem:$0x1FF70] =	vst v63  }
0x1b9: {  	_ =	swait.ge [sflag:s31], $0x800  }
0x1ba: {  	[sflag:s31] =	ssyncset.done $0x0  }
0x1bb: {  	s26 =	simm.s32 $0x18740;
	[sflag:s31] =	ssyncadd.s32 $0xFFFFF800  }
0x1bc: {  	v1 =	vld [tilespmem:s26+$0x30]  }
0x1bd: {  	v2 =	vld [tilespmem:s26+$0xFFFFFFD0]  }
0x1be: {  	v3 =	vld [tilespmem:s26+$0xFFFFFFE0]  }
0x1bf: {  	v4 =	vld [tilespmem:s26+$0xFFFFFFF0]  }
0x1c0: {  	v6 =	vld [tilespmem:s26+$0x0]  }
0x1c1: {  	v7 =	vld [tilespmem:s26+$0x10]  }
0x1c2: {  	v8 =	vld [tilespmem:s26+$0x20]  }
0x1c3: {  	s1 =	simm.s32 $0x18F40;
	v9 =	vld [tilespmem:s26+$0xFFFFFFC0]  }
0x1c4: {  	v12 =	vld [tilespmem:s1+$0x30]  }
0x1c5: {  	v15 =	vld [tilespmem:s1+$0xFFFFFFD0]  }
0x1c6: {  	v10 =	vld [tilespmem:s1+$0xFFFFFFE0]  }
0x1c7: {  	v11 =	vld.idx.msk [tilespmem:v1+s6+$0x0], $0xffff  }
0x1c8: {  	v13 =	vld.idx.msk [tilespmem:v2+s6+$0x0], $0xffff  }
0x1c9: {  	v5 =	vld.idx.msk [tilespmem:v3+s6+$0x0], $0xffff  }
0x1ca: {  	v4 =	vld.idx.msk [tilespmem:v4+s6+$0x0], $0xffff  }
0x1cb: {  	v14 =	vld.idx.msk [tilespmem:v9+s6+$0x0], $0xffff  }
0x1cc: {  	v2 =	vld.idx.msk [tilespmem:v8+s6+$0x0], $0xffff  }
0x1cd: {  	v8 =	vld [tilespmem:s1+$0xFFFFFFC0]  }
0x1ce: {  	v3 =	vld.idx.msk [tilespmem:v6+s6+$0x0], $0xffff  }
0x1cf: {  	v1 =	vld.idx.msk [tilespmem:v7+s6+$0x0], $0xffff  }
0x1d0: {  	v9 =	vld [tilespmem:s1+$0xFFFFFFF0]  }
0x1d1: {  	v7 =	vld [tilespmem:s1+$0x0];
	v11 =	vmul.f32 v12, v11  }
0x1d2: {  	v6 =	vld [tilespmem:s1+$0x10];
	v12 =	vmul.f32 v8, v14  }
0x1d3: {  	s10 =	simm.s32 $0x187C0;
	s8 =	simm.s32 $0x0;
	v8 =	vld [tilespmem:s1+$0x20];
	[tilespmem:s1+$0x30] =	vst v11;
	v11 =	vmul.f32 v15, v13  }
.LBB2_17:
0x1d4: {  	v13 =	vld [tilespmem:s10+$0x30];
	s8 =	sadd.s32 $0x80, s8;
	[tilespmem:s1+$0xFFFFFFC0] =	vst v12;
	v5 =	vmul.f32 v10, v5  }
0x1d5: {  	v10 =	vld [tilespmem:s10+$0xFFFFFFD0];
	p1 =	slt.u32 s8, $0x780;
	[tilespmem:s1+$0xFFFFFFD0] =	vst v11;
	v4 =	vmul.f32 v9, v4  }
0x1d6: {  	v9 =	vld [tilespmem:s10+$0xFFFFFFE0];
	[tilespmem:s1+$0xFFFFFFE0] =	vst v5;
	v3 =	vmul.f32 v7, v3  }
0x1d7: {  	v7 =	vld [tilespmem:s10+$0xFFFFFFF0];
	[tilespmem:s1+$0xFFFFFFF0] =	vst v4;
	v1 =	vmul.f32 v6, v1  }
0x1d8: {  	v6 =	vld [tilespmem:s10+$0x0];
	[tilespmem:s1+$0x0] =	vst v3;
	v2 =	vmul.f32 v8, v2  }
0x1d9: {  	v8 =	vld [tilespmem:s10+$0x10];
	[tilespmem:s1+$0x10] =	vst v1  }
0x1da: {  	v11 =	vld [tilespmem:s10+$0x20];
	[tilespmem:s1+$0x20] =	vst v2  }
0x1db: {  	v2 =	vld [tilespmem:s10+$0xFFFFFFC0]  }
0x1dc: {  	s1 =	sadd.s32 $0x80, s1;
	v12 =	vld.idx.msk [tilespmem:v13+s6+$0x0], $0xffff  }
0x1dd: {  	v13 =	vld [tilespmem:s1+$0x30]  }
0x1de: {  	v14 =	vld.idx.msk [tilespmem:v10+s6+$0x0], $0xffff  }
0x1df: {  	v5 =	vld.idx.msk [tilespmem:v9+s6+$0x0], $0xffff  }
0x1e0: {  	v4 =	vld.idx.msk [tilespmem:v7+s6+$0x0], $0xffff  }
0x1e1: {  	v3 =	vld.idx.msk [tilespmem:v6+s6+$0x0], $0xffff  }
0x1e2: {  	v1 =	vld.idx.msk [tilespmem:v8+s6+$0x0], $0xffff;
	v6 =	vmul.f32 v13, v12  }
0x1e3: {  	v8 =	vld.idx.msk [tilespmem:v2+s6+$0x0], $0xffff  }
0x1e4: {  	v2 =	vld.idx.msk [tilespmem:v11+s6+$0x0], $0xffff;
	[tilespmem:s1+$0x30] =	vst v6  }
0x1e5: {  	v6 =	vld [tilespmem:s1+$0xFFFFFFC0]  }
0x1e6: {  	v11 =	vld [tilespmem:s1+$0xFFFFFFD0]  }
.Ltmp12:
0x1e7: {  	v10 =	vld [tilespmem:s1+$0xFFFFFFE0];
	(pc) =	sbr.rel @p1 .LBB2_17-.Ltmp12, $4  }
0x1e8: {  	v9 =	vld [tilespmem:s1+$0xFFFFFFF0]  }
0x1e9: {  	v7 =	vld [tilespmem:s1+$0x0]  }
0x1ea: {  	v12 =	vmul.f32 v6, v8;
	v6 =	vld [tilespmem:s1+$0x10]  }
0x1eb: {  	s10 =	sadd.s32 $0x80, s10;
	v11 =	vmul.f32 v11, v14;
	v8 =	vld [tilespmem:s1+$0x20]  }
0x1ec: {  	[tilespmem:s1+$0xFFFFFFC0] =	vst v12;
	v5 =	vmul.f32 v10, v5  }
0x1ed: {  	[tilespmem:s1+$0xFFFFFFD0] =	vst v11;
	v4 =	vmul.f32 v9, v4  }
0x1ee: {  	[tilespmem:s1+$0xFFFFFFE0] =	vst v5;
	v3 =	vmul.f32 v7, v3  }
0x1ef: {  	[tilespmem:s1+$0xFFFFFFF0] =	vst v4;
	v1 =	vmul.f32 v6, v1  }
0x1f0: {  	[tilespmem:s1+$0x0] =	vst v3;
	v2 =	vmul.f32 v8, v2  }
0x1f1: {  	[tilespmem:s1+$0x10] =	vst v1  }
.Ltmp13:
0x1f2: {  	[tilespmem:s1+$0x20] =	vst v2;
	(pc) =	sbr.rel .LBB2_19-.Ltmp13, $4  }
0x1f3: {  	[spmem:s5] =	stream.indirect.scatter.add.f32 [tilespmem:s30], [sflag:$0x9], $0x1, s23, s15, $0xb8;
	[tilespmem:$0x1FF70] =	vst v63  }
0x1f4: {  	_ =	swait.ge [sflag:s31], $0x800  }
0x1f5: {  	[sflag:s31] =	ssyncset.done $0x0  }
0x1f6: {  	[sflag:s31] =	ssyncadd.s32 $0xFFFFF800  }
.LBB2_20:
0x1f7: {  	_ =	sfence.sel $0x180000  }
0x1f8: {  	[bflag:$0x0] =	sbarrier.arrive $0xFFFF  }
0x1f9: {  	_ =	strace $0x90000047  }
0x1fa: {  	s0 =	stileid.u32;
	[bflag:$0x2] =	sbarrier.arrive $0xFFFF  }
0x1fb: {  	p0 =	sne.s32 s0, $0x0;
	s0 =	rddreg [dreg:$0x6]  }
0x1fc: {  	s0 =	sadd.s32 @!p0 $0x100000, s0  }
0x1fd: {  	[sflag:s0] =	ssyncadd.tile.s32 @!p0 $0x1;
	_ =	shalt  }
.Lfunc_end2:
_tile_overlayer_lowered:
.L_overlay_start_2:
0x1fe: {  	(tag) =	ssettag $0x2  }
0x1ff: {  	s0 =	rddreg [dreg:$0x0];
	s2 =	stileid.u32  }
0x200: {  	s1 =	rddreg [dreg:$0x1];
	p0 =	sne.s32 s2, $0x0  }
0x201: {  	s3 =	rddreg [dreg:$0x2];
	[bflag:$0x3] =	sbarrier.arrive $0xFFFF;
	s2 =	simm.s32 @!p0 $0x1C09  }
0x202: {  	[timem:s3], [sflag:s2] =	dma.local @!p0 [hbm:s0], s1  }
0x203: {  	s0 =	simm.s32 @!p0 $0x9  }
0x204: {  	_ =	swait.ge @!p0 [sflag:s0], s1  }
0x205: {  	s1 =	ssub.s32 @!p0 $0x0, s1;
	[sflag:s0] =	ssyncset.done @!p0 $0x0  }
0x206: {  	[sflag:s0] =	ssyncadd.s32 @!p0 s1  }
0x207: {  	[bflag:$0x3] =	sbarrier.arrive $0xFFFF  }
0x208: {  	_ =	shalt  }

</sc_bundles>
